<compile_context>
chip_gen: v7x
topology: tpu7x:2x2x1
jax: 0.10.2.dev20260603
libtpu: 0.0.44.dev20260713+nightly
codegen_flags: <defaults>
</compile_context>

<pallas_src>
import functools

import jax
import jax.numpy as jnp
from jax import lax
from jax.experimental import pallas as pl
from jax.experimental.pallas import tpu as pltpu
from jax.experimental.pallas import tpu_sc as plsc

N_NODES = 10000
D = 128
NC, NS = 2, 16
NW = NC * NS
E = 320000
EPW = E // NW
B = 80
NCHUNK = EPW // B
LANES = 16
ROWS_PER_TILE = N_NODES // NS

BL = 1000
NB = N_NODES // BL


def _sc_segment_sum(edges4, h):
    mesh = plsc.VectorSubcoreMesh(core_axis_name="c", subcore_axis_name="s")

    @functools.partial(
        pl.kernel,
        out_type=[
            jax.ShapeDtypeStruct((NC * N_NODES, D), jnp.float32),
            jax.ShapeDtypeStruct((NW, N_NODES), jnp.float32),
        ],
        mesh=mesh,
        compiler_params=pltpu.CompilerParams(
            use_tc_tiling_on_sc=False, needs_layout_passes=False
        ),
        scratch_types=[
            pltpu.VMEM((NCHUNK, B), jnp.int32),
            pltpu.VMEM((NCHUNK, B), jnp.int32),
            pltpu.VMEM((B, D), jnp.float32),
            pltpu.VMEM((B, D), jnp.float32),
            pltpu.VMEM((N_NODES,), jnp.float32),
            pltpu.SemaphoreType.DMA,
            pltpu.SemaphoreType.DMA,
            pltpu.SemaphoreType.DMA,
            pltpu.SemaphoreType.DMA,
            pltpu.VMEM_SHARED((N_NODES, D), jnp.float32),
        ],
    )
    def k(e_hbm, h_hbm, out_hbm, deg_hbm,
          src_v, dst_v, rows0, rows1, deg_v, sem0, sem1, sems0, sems1, acc_sh):
        c = lax.axis_index("c")
        s = lax.axis_index("s")
        wid = s * NC + c

        zero16 = jnp.zeros((LANES,), jnp.float32)

        @pl.loop(0, N_NODES // LANES)
        def _(i):
            deg_v[pl.ds(i * LANES, LANES)] = zero16

        @pl.loop(0, B)
        def _(i):
            for kk in range(D // LANES):
                rows0[i, pl.ds(kk * LANES, LANES)] = zero16

        pltpu.sync_copy(e_hbm.at[0, wid], src_v)
        pltpu.sync_copy(e_hbm.at[1, wid], dst_v)

        @pl.loop(0, ROWS_PER_TILE // B)
        def _(i):
            pltpu.sync_copy(
                rows0, acc_sh.at[pl.ds(s * ROWS_PER_TILE + i * B, B)]
            )

        pltpu.sync_copy(
            rows0.at[pl.ds(0, ROWS_PER_TILE % B)],
            acc_sh.at[pl.ds(s * ROWS_PER_TILE + (ROWS_PER_TILE // B) * B,
                            ROWS_PER_TILE % B)],
        )
        plsc.subcore_barrier()

        ones16 = jnp.ones((LANES,), jnp.float32)

        def count_deg(j):
            for kk in range(B // LANES):
                idx16 = dst_v[j, pl.ds(kk * LANES, LANES)]
                plsc.addupdate_scatter(deg_v, [idx16], ones16)

        def src_at(j):
            return src_v.at[j]

        def dst_at(j):
            return dst_v.at[j]

        pltpu.async_copy(h_hbm.at[src_at(0)], rows0, sem0)
        pltpu.async_copy(h_hbm.at[src_at(1)], rows1, sem1)

        @pl.loop(0, NCHUNK - 1, step=2)
        def _(j):
            pltpu.make_async_copy(h_hbm.at[src_at(j)], rows0, sem0).wait()
            pltpu.async_copy(rows0, acc_sh.at[dst_at(j)], sems0, add=True)
            count_deg(j)
            pltpu.make_async_copy(h_hbm.at[src_at(j + 1)], rows1, sem1).wait()
            pltpu.async_copy(rows1, acc_sh.at[dst_at(j + 1)], sems1, add=True)
            count_deg(j + 1)
            pltpu.make_async_copy(rows0, acc_sh.at[dst_at(j)], sems0).wait()

            @pl.when(j + 2 < NCHUNK)
            def _prefetch0():
                pltpu.async_copy(h_hbm.at[src_at(j + 2)], rows0, sem0)

            pltpu.make_async_copy(rows1, acc_sh.at[dst_at(j + 1)], sems1).wait()

            @pl.when(j + 3 < NCHUNK)
            def _prefetch1():
                pltpu.async_copy(h_hbm.at[src_at(j + 3)], rows1, sem1)

        pltpu.make_async_copy(h_hbm.at[src_at(NCHUNK - 1)], rows0, sem0).wait()
        pltpu.sync_copy(rows0, acc_sh.at[dst_at(NCHUNK - 1)], add=True)
        count_deg(NCHUNK - 1)

        plsc.subcore_barrier()
        pltpu.sync_copy(
            acc_sh.at[pl.ds(s * ROWS_PER_TILE, ROWS_PER_TILE)],
            out_hbm.at[pl.ds(c * N_NODES + s * ROWS_PER_TILE, ROWS_PER_TILE)],
        )
        pltpu.sync_copy(deg_v, deg_hbm.at[wid])

    return k(edges4, h)


def _tc_dense(partials, degs3, h_in, W, b2, gamma2, beta2):

    def body(p0_ref, p1_ref, dg_ref, hin_ref, w_ref, b_ref, g_ref, be_ref,
             o_ref, y_scr, st_scr):
        ph = pl.program_id(0)
        i = pl.program_id(1)

        @pl.when(ph == 0)
        def _phase0():
            tot = p0_ref[...] + p1_ref[...]
            dg = dg_ref[:, pl.ds(i, 1), :]
            deg = jnp.maximum(jnp.sum(dg, axis=0)[0], 1.0)
            x = tot / deg[:, None] + hin_ref[...]
            y = (
                lax.dot_general(
                    x, w_ref[...], (((1,), (1,)), ((), ())),
                    preferred_element_type=jnp.float32,
                )
                + b_ref[...]
            )
            y_scr[pl.ds(i * BL, BL), :] = y

            @pl.when(i == 0)
            def _():
                st_scr[...] = jnp.zeros_like(st_scr)

            st_scr[0:1, :] += jnp.sum(y, axis=0, keepdims=True)
            st_scr[1:2, :] += jnp.sum(y * y, axis=0, keepdims=True)

        @pl.when(ph == 1)
        def _phase1():
            st = st_scr[...]
            mean = st[0:1] * (1.0 / N_NODES)
            var = st[1:2] * (1.0 / N_NODES) - mean * mean
            inv = lax.rsqrt(var + 1e-5)
            y = y_scr[pl.ds(i * BL, BL), :]
            o_ref[...] = jnp.maximum(
                (y - mean) * (inv * g_ref[...]) + be_ref[...], 0.0
            )

    return pl.pallas_call(
        body,
        grid=(2, NB),
        in_specs=[
            pl.BlockSpec((BL, D), lambda p, i: (i, 0)),
            pl.BlockSpec((BL, D), lambda p, i: (NB + i, 0)),
            pl.BlockSpec((NW, NB, BL), lambda p, i: (0, 0, 0)),
            pl.BlockSpec((BL, D), lambda p, i: (i, 0)),
            pl.BlockSpec((D, D), lambda p, i: (0, 0)),
            pl.BlockSpec((1, D), lambda p, i: (0, 0)),
            pl.BlockSpec((1, D), lambda p, i: (0, 0)),
            pl.BlockSpec((1, D), lambda p, i: (0, 0)),
        ],
        out_specs=pl.BlockSpec((BL, D), lambda p, i: (i, 0)),
        out_shape=jax.ShapeDtypeStruct((N_NODES, D), jnp.float32),
        scratch_shapes=[
            pltpu.VMEM((N_NODES, D), jnp.float32),
            pltpu.VMEM((2, D), jnp.float32),
        ],
    )(partials, partials, degs3, h_in, W, b2, gamma2, beta2)


def kernel(g_edge_index, h, h_in, W, b, gamma, beta):
    edges4 = g_edge_index.astype(jnp.int32).reshape(2, NW, NCHUNK, B)
    partials, degs = _sc_segment_sum(edges4, h)
    return _tc_dense(
        partials, degs.reshape(NW, NB, BL), h_in, W,
        b.reshape(1, D), gamma.reshape(1, D), beta.reshape(1, D),
    )

# --- scband reference (transcript-rebuilt; emitter-appended) ---
"""Pipeline reference for scband-op-module-6631429505469 (READ-ONLY COPY).

The authoritative reference and input builder live on the scoring server;
editing this copy changes nothing except your own understanding.
"""

import jax
import jax.numpy as jnp
import numpy as np

N_NODES = 10000
N_EDGES = 32 * N_NODES  # 320000
D_FEAT = 128


def setup_inputs(seed: int = 0) -> dict:
    key = jax.random.key(seed)
    k_ei, k_h, k_hin, k_w, k_b, k_g, k_be = jax.random.split(key, 7)
    g_edge_index = jax.random.randint(k_ei, (2, N_EDGES), 0, N_NODES, dtype=jnp.int64)
    h = jax.random.normal(k_h, (N_NODES, D_FEAT), dtype=jnp.float32)
    h_in = jax.random.normal(k_hin, (N_NODES, D_FEAT), dtype=jnp.float32)
    # Linear layer params (torch nn.Linear default init style: uniform)
    bound = 1.0 / np.sqrt(D_FEAT)
    W = jax.random.uniform(k_w, (D_FEAT, D_FEAT), dtype=jnp.float32, minval=-bound, maxval=bound)
    b = jax.random.uniform(k_b, (D_FEAT,), dtype=jnp.float32, minval=-bound, maxval=bound)
    # BatchNorm1d params
    gamma = jnp.ones((D_FEAT,), dtype=jnp.float32)
    beta = jnp.zeros((D_FEAT,), dtype=jnp.float32)
    return {"g_edge_index": g_edge_index, "h": h, "h_in": h_in, "W": W, "b": b, "gamma": gamma, "beta": beta}


def _gcn_op(edge_index, h, h_in, n_nodes):
    # MIXED_OPS['gcn']: mean-aggregate neighbor features (gather -> scatter-add),
    # plus skip connection from h_in (NAS mixed-op style).
    src = edge_index[0]
    dst = edge_index[1]
    msg = jnp.take(h, src, axis=0)                       # gather [E, d]
    agg = jax.ops.segment_sum(msg, dst, num_segments=n_nodes)  # scatter-add [N, d]
    deg = jax.ops.segment_sum(jnp.ones((msg.shape[0],), dtype=h.dtype), dst, num_segments=n_nodes)
    deg = jnp.clip(deg, 1.0, None)
    agg = agg / deg[:, None]
    return agg + h_in


def reference(g_edge_index, h, h_in, W, b, gamma, beta):
    n_nodes = h.shape[0]
    # op
    x = _gcn_op(g_edge_index, h, h_in, n_nodes)
    # linear
    x = x @ W.T + b
    # batchnorm (training-mode batch statistics over nodes), op_norm=True
    eps = 1e-5
    mean = jnp.mean(x, axis=0)
    var = jnp.var(x, axis=0)
    x = (x - mean) / jnp.sqrt(var + eps) * gamma + beta
    # ReLU
    return jax.nn.relu(x)

if __name__ == "__main__":
    import jax
    _d = setup_inputs()
    print(jax.jit(kernel)(*tuple(_d.values())))

</pallas_src>

<mosaic_0001>
#map = affine_map<(d0, d1) -> (0, 0, 0, 0)>
#map1 = affine_map<(d0, d1) -> (0, 0)>
module attributes {stable_mosaic.version = 14 : i64} {
  func.func @k(%arg0: i32, %arg1: i32, %arg2: memref<2x32x125x80xi32, #tpu.memory_space<hbm>>, %arg3: memref<10000x128xf32, #tpu.memory_space<hbm>>, %arg4: memref<20000x128xf32, #tpu.memory_space<hbm>>, %arg5: memref<32x10000xf32, #tpu.memory_space<hbm>>, %arg6: memref<125x80xi32, #tpu.memory_space<vmem>>, %arg7: memref<125x80xi32, #tpu.memory_space<vmem>>, %arg8: memref<80x128xf32, #tpu.memory_space<vmem>>, %arg9: memref<80x128xf32, #tpu.memory_space<vmem>>, %arg10: memref<10000xf32, #tpu.memory_space<vmem>>, %arg11: memref<!tpu.dma_semaphore, #tpu.memory_space<semaphore_mem>>, %arg12: memref<!tpu.dma_semaphore, #tpu.memory_space<semaphore_mem>>, %arg13: memref<!tpu.dma_semaphore, #tpu.memory_space<semaphore_mem>>, %arg14: memref<!tpu.dma_semaphore, #tpu.memory_space<semaphore_mem>>, %arg15: memref<10000x128xf32, #tpu.memory_space<vmem_shared>>) attributes {dimension_semantics = [#tpu.dimension_semantics<core_parallel>, #tpu.dimension_semantics<subcore_parallel>], iteration_bounds = array<i64: 2, 16>, scalar_prefetch = 0 : i64, scratch_operands = 10 : i64, tpu.core_type = #tpu.core_type<sc_vector_subcore>, window_params = [{transform_indices = #map}, {transform_indices = #map1}, {transform_indices = #map1}, {transform_indices = #map1}]} {
    %mul3A = arith.constant 2 : i32
    %mul3A_0 = arith.muli %arg1, %mul3A : i32
    %add3A = arith.addi %mul3A_0, %arg0 : i32
    %broadcast_in_dim3A = arith.constant 0.000000e+00 : f32
    %broadcast_in_dim3A_1 = vector.broadcast %broadcast_in_dim3A : f32 to vector<16xf32>
    %scan3A = arith.constant 0 : i32
    %scan3A_2 = arith.constant 625 : i32
    %scan3A_3 = arith.addi %scan3A, %scan3A_2 : i32
    %scan3A_4 = arith.constant 1 : i32
    scf.for %scan3A_75 = %scan3A to %scan3A_3 step %scan3A_4  : i32 {
      %mul3A_76 = arith.constant 1 : i32
      %mul3A_77 = arith.muli %scan3A_75, %mul3A_76 : i32
      %add3A_78 = arith.constant 0 : i32
      %add3A_79 = arith.addi %add3A_78, %mul3A_77 : i32
      %mul3A_80 = arith.constant 16 : i32
      %mul3A_81 = arith.muli %add3A_79, %mul3A_80 : i32
      %swap3A = arith.index_cast %mul3A_81 : i32 to index
      %swap3A_82 = tpu.vector_load %arg10[%swap3A] {strides = array<i32>} : memref<10000xf32, #tpu.memory_space<vmem>>, vector<16xf32>,
      tpu.vector_store %arg10[%swap3A], %broadcast_in_dim3A_1 {strides = array<i32>} : memref<10000xf32, #tpu.memory_space<vmem>>, vector<16xf32>,
    }
    %scan3A_5 = arith.constant 625 : i32
    %scan3A_6 = arith.constant 0 : i32
    %scan3A_7 = arith.constant 80 : i32
    %scan3A_8 = arith.addi %scan3A_6, %scan3A_7 : i32
    %scan3A_9 = arith.constant 1 : i32
    scf.for %scan3A_75 = %scan3A_6 to %scan3A_8 step %scan3A_9  : i32 {
      %mul3A_76 = arith.constant 1 : i32
      %mul3A_77 = arith.muli %scan3A_75, %mul3A_76 : i32
      %add3A_78 = arith.constant 0 : i32
      %add3A_79 = arith.addi %add3A_78, %mul3A_77 : i32
      %swap3A = arith.index_cast %add3A_79 : i32 to index
      %swap3A_80 = arith.constant 0 : index
      %swap3A_81 = tpu.vector_load %arg8[%swap3A, %swap3A_80] {strides = array<i32>} : memref<80x128xf32, #tpu.memory_space<vmem>>, vector<16xf32>,
      tpu.vector_store %arg8[%swap3A, %swap3A_80], %broadcast_in_dim3A_1 {strides = array<i32>} : memref<80x128xf32, #tpu.memory_space<vmem>>, vector<16xf32>,
      %swap3A_82 = arith.index_cast %add3A_79 : i32 to index
      %swap3A_83 = arith.constant 16 : index
      %swap3A_84 = tpu.vector_load %arg8[%swap3A_82, %swap3A_83] {strides = array<i32>} : memref<80x128xf32, #tpu.memory_space<vmem>>, vector<16xf32>,
      tpu.vector_store %arg8[%swap3A_82, %swap3A_83], %broadcast_in_dim3A_1 {strides = array<i32>} : memref<80x128xf32, #tpu.memory_space<vmem>>, vector<16xf32>,
      %swap3A_85 = arith.index_cast %add3A_79 : i32 to index
      %swap3A_86 = arith.constant 32 : index
      %swap3A_87 = tpu.vector_load %arg8[%swap3A_85, %swap3A_86] {strides = array<i32>} : memref<80x128xf32, #tpu.memory_space<vmem>>, vector<16xf32>,
      tpu.vector_store %arg8[%swap3A_85, %swap3A_86], %broadcast_in_dim3A_1 {strides = array<i32>} : memref<80x128xf32, #tpu.memory_space<vmem>>, vector<16xf32>,
      %swap3A_88 = arith.index_cast %add3A_79 : i32 to index
      %swap3A_89 = arith.constant 48 : index
      %swap3A_90 = tpu.vector_load %arg8[%swap3A_88, %swap3A_89] {strides = array<i32>} : memref<80x128xf32, #tpu.memory_space<vmem>>, vector<16xf32>,
      tpu.vector_store %arg8[%swap3A_88, %swap3A_89], %broadcast_in_dim3A_1 {strides = array<i32>} : memref<80x128xf32, #tpu.memory_space<vmem>>, vector<16xf32>,
      %swap3A_91 = arith.index_cast %add3A_79 : i32 to index
      %swap3A_92 = arith.constant 64 : index
      %swap3A_93 = tpu.vector_load %arg8[%swap3A_91, %swap3A_92] {strides = array<i32>} : memref<80x128xf32, #tpu.memory_space<vmem>>, vector<16xf32>,
      tpu.vector_store %arg8[%swap3A_91, %swap3A_92], %broadcast_in_dim3A_1 {strides = array<i32>} : memref<80x128xf32, #tpu.memory_space<vmem>>, vector<16xf32>,
      %swap3A_94 = arith.index_cast %add3A_79 : i32 to index
      %swap3A_95 = arith.constant 80 : index
      %swap3A_96 = tpu.vector_load %arg8[%swap3A_94, %swap3A_95] {strides = array<i32>} : memref<80x128xf32, #tpu.memory_space<vmem>>, vector<16xf32>,
      tpu.vector_store %arg8[%swap3A_94, %swap3A_95], %broadcast_in_dim3A_1 {strides = array<i32>} : memref<80x128xf32, #tpu.memory_space<vmem>>, vector<16xf32>,
      %swap3A_97 = arith.index_cast %add3A_79 : i32 to index
      %swap3A_98 = arith.constant 96 : index
      %swap3A_99 = tpu.vector_load %arg8[%swap3A_97, %swap3A_98] {strides = array<i32>} : memref<80x128xf32, #tpu.memory_space<vmem>>, vector<16xf32>,
      tpu.vector_store %arg8[%swap3A_97, %swap3A_98], %broadcast_in_dim3A_1 {strides = array<i32>} : memref<80x128xf32, #tpu.memory_space<vmem>>, vector<16xf32>,
      %swap3A_100 = arith.index_cast %add3A_79 : i32 to index
      %swap3A_101 = arith.constant 112 : index
      %swap3A_102 = tpu.vector_load %arg8[%swap3A_100, %swap3A_101] {strides = array<i32>} : memref<80x128xf32, #tpu.memory_space<vmem>>, vector<16xf32>,
      tpu.vector_store %arg8[%swap3A_100, %swap3A_101], %broadcast_in_dim3A_1 {strides = array<i32>} : memref<80x128xf32, #tpu.memory_space<vmem>>, vector<16xf32>,
    }
    %scan3A_10 = arith.constant 80 : i32
    %run_scoped3A = arith.constant 0 : i32
    "tpu.region"() ({
      %run_scoped3A_75 = tpu.sem_alloc : memref<!tpu.dma_semaphore, #tpu.memory_space<semaphore_mem>>
      %dma_start3A_76 = arith.constant 0 : i32
      %dma_start3A_77 = arith.constant 0 : i32
      %dma_start3A_78 = tpu.memref_slice %arg2[%run_scoped3A, %add3A, %dma_start3A_76, %dma_start3A_77] : memref<2x32x125x80xi32, #tpu.memory_space<hbm>> -> memref<1x1x125x80xi32, #tpu.memory_space<hbm>>
      %dma_start3A_79 = tpu.memref_squeeze %dma_start3A_78 : memref<1x1x125x80xi32, #tpu.memory_space<hbm>> -> memref<125x80xi32, #tpu.memory_space<hbm>>
      %dma_start3A_80 = arith.constant 0 : i32
      %dma_start3A_81 = arith.constant 0 : i32
      %dma_start3A_82 = tpu.memref_slice %arg2[%run_scoped3A, %add3A, %dma_start3A_80, %dma_start3A_81] : memref<2x32x125x80xi32, #tpu.memory_space<hbm>> -> memref<1x1x125x80xi32, #tpu.memory_space<hbm>>
      %dma_start3A_83 = tpu.memref_squeeze %dma_start3A_82 : memref<1x1x125x80xi32, #tpu.memory_space<hbm>> -> memref<125x80xi32, #tpu.memory_space<hbm>>
      tpu.enqueue_dma source(%dma_start3A_83 : memref<125x80xi32, #tpu.memory_space<hbm>>) target(%arg6 : memref<125x80xi32, #tpu.memory_space<vmem>>) target_semaphore(%run_scoped3A_75 : memref<!tpu.dma_semaphore, #tpu.memory_space<semaphore_mem>>)
      %dma_wait3A_84 = arith.constant 0 : i32
      %dma_wait3A_85 = arith.constant 0 : i32
      %dma_wait3A_86 = tpu.memref_slice %arg2[%run_scoped3A, %add3A, %dma_wait3A_84, %dma_wait3A_85] : memref<2x32x125x80xi32, #tpu.memory_space<hbm>> -> memref<1x1x125x80xi32, #tpu.memory_space<hbm>>
      %dma_wait3A_87 = tpu.memref_squeeze %dma_wait3A_86 : memref<1x1x125x80xi32, #tpu.memory_space<hbm>> -> memref<125x80xi32, #tpu.memory_space<hbm>>
      %dma_wait3A_88 = arith.constant 0 : i32
      %dma_wait3A_89 = arith.constant 0 : i32
      %dma_wait3A_90 = tpu.memref_slice %arg2[%run_scoped3A, %add3A, %dma_wait3A_88, %dma_wait3A_89] : memref<2x32x125x80xi32, #tpu.memory_space<hbm>> -> memref<1x1x125x80xi32, #tpu.memory_space<hbm>>
      %dma_wait3A_91 = tpu.memref_squeeze %dma_wait3A_90 : memref<1x1x125x80xi32, #tpu.memory_space<hbm>> -> memref<125x80xi32, #tpu.memory_space<hbm>>
      tpu.wait_dma2 semaphore(%run_scoped3A_75 : memref<!tpu.dma_semaphore, #tpu.memory_space<semaphore_mem>>) src(%dma_wait3A_91 : memref<125x80xi32, #tpu.memory_space<hbm>>) dst(%arg6 : memref<125x80xi32, #tpu.memory_space<vmem>>)
      tpu.yield
    }) : () -> ()
    %run_scoped3A_11 = arith.constant 1 : i32
    "tpu.region"() ({
      %run_scoped3A_75 = tpu.sem_alloc : memref<!tpu.dma_semaphore, #tpu.memory_space<semaphore_mem>>
      %dma_start3A_76 = arith.constant 0 : i32
      %dma_start3A_77 = arith.constant 0 : i32
      %dma_start3A_78 = tpu.memref_slice %arg2[%run_scoped3A_11, %add3A, %dma_start3A_76, %dma_start3A_77] : memref<2x32x125x80xi32, #tpu.memory_space<hbm>> -> memref<1x1x125x80xi32, #tpu.memory_space<hbm>>
      %dma_start3A_79 = tpu.memref_squeeze %dma_start3A_78 : memref<1x1x125x80xi32, #tpu.memory_space<hbm>> -> memref<125x80xi32, #tpu.memory_space<hbm>>
      %dma_start3A_80 = arith.constant 0 : i32
      %dma_start3A_81 = arith.constant 0 : i32
      %dma_start3A_82 = tpu.memref_slice %arg2[%run_scoped3A_11, %add3A, %dma_start3A_80, %dma_start3A_81] : memref<2x32x125x80xi32, #tpu.memory_space<hbm>> -> memref<1x1x125x80xi32, #tpu.memory_space<hbm>>
      %dma_start3A_83 = tpu.memref_squeeze %dma_start3A_82 : memref<1x1x125x80xi32, #tpu.memory_space<hbm>> -> memref<125x80xi32, #tpu.memory_space<hbm>>
      tpu.enqueue_dma source(%dma_start3A_83 : memref<125x80xi32, #tpu.memory_space<hbm>>) target(%arg7 : memref<125x80xi32, #tpu.memory_space<vmem>>) target_semaphore(%run_scoped3A_75 : memref<!tpu.dma_semaphore, #tpu.memory_space<semaphore_mem>>)
      %dma_wait3A_84 = arith.constant 0 : i32
      %dma_wait3A_85 = arith.constant 0 : i32
      %dma_wait3A_86 = tpu.memref_slice %arg2[%run_scoped3A_11, %add3A, %dma_wait3A_84, %dma_wait3A_85] : memref<2x32x125x80xi32, #tpu.memory_space<hbm>> -> memref<1x1x125x80xi32, #tpu.memory_space<hbm>>
      %dma_wait3A_87 = tpu.memref_squeeze %dma_wait3A_86 : memref<1x1x125x80xi32, #tpu.memory_space<hbm>> -> memref<125x80xi32, #tpu.memory_space<hbm>>
      %dma_wait3A_88 = arith.constant 0 : i32
      %dma_wait3A_89 = arith.constant 0 : i32
      %dma_wait3A_90 = tpu.memref_slice %arg2[%run_scoped3A_11, %add3A, %dma_wait3A_88, %dma_wait3A_89] : memref<2x32x125x80xi32, #tpu.memory_space<hbm>> -> memref<1x1x125x80xi32, #tpu.memory_space<hbm>>
      %dma_wait3A_91 = tpu.memref_squeeze %dma_wait3A_90 : memref<1x1x125x80xi32, #tpu.memory_space<hbm>> -> memref<125x80xi32, #tpu.memory_space<hbm>>
      tpu.wait_dma2 semaphore(%run_scoped3A_75 : memref<!tpu.dma_semaphore, #tpu.memory_space<semaphore_mem>>) src(%dma_wait3A_91 : memref<125x80xi32, #tpu.memory_space<hbm>>) dst(%arg7 : memref<125x80xi32, #tpu.memory_space<vmem>>)
      tpu.yield
    }) : () -> ()
    %scan3A_12 = arith.constant 0 : i32
    %scan3A_13 = arith.constant 7 : i32
    %scan3A_14 = arith.addi %scan3A_12, %scan3A_13 : i32
    %scan3A_15 = arith.constant 1 : i32
    scf.for %scan3A_75 = %scan3A_12 to %scan3A_14 step %scan3A_15  : i32 {
      %mul3A_76 = arith.constant 1 : i32
      %mul3A_77 = arith.muli %scan3A_75, %mul3A_76 : i32
      %add3A_78 = arith.constant 0 : i32
      %add3A_79 = arith.addi %add3A_78, %mul3A_77 : i32
      %mul3A_80 = arith.constant 625 : i32
      %mul3A_81 = arith.muli %arg1, %mul3A_80 : i32
      %mul3A_82 = arith.constant 80 : i32
      %mul3A_83 = arith.muli %add3A_79, %mul3A_82 : i32
      %add3A_84 = arith.addi %mul3A_81, %mul3A_83 : i32
      "tpu.region"() ({
        %run_scoped3A_85 = tpu.sem_alloc : memref<!tpu.dma_semaphore, #tpu.memory_space<semaphore_mem>>
        %dma_start3A_86 = arith.constant 0 : i32
        %dma_start3A_87 = tpu.memref_slice %arg15[%add3A_84, %dma_start3A_86] : memref<10000x128xf32, #tpu.memory_space<vmem_shared>> -> memref<80x128xf32, #tpu.memory_space<vmem_shared>>
        %dma_start3A_88 = arith.constant 0 : i32
        %dma_start3A_89 = tpu.memref_slice %arg15[%add3A_84, %dma_start3A_88] : memref<10000x128xf32, #tpu.memory_space<vmem_shared>> -> memref<80x128xf32, #tpu.memory_space<vmem_shared>>
        tpu.enqueue_dma source(%arg8 : memref<80x128xf32, #tpu.memory_space<vmem>>) target(%dma_start3A_89 : memref<80x128xf32, #tpu.memory_space<vmem_shared>>) target_semaphore(%run_scoped3A_85 : memref<!tpu.dma_semaphore, #tpu.memory_space<semaphore_mem>>)
        %dma_wait3A_90 = arith.constant 0 : i32
        %dma_wait3A_91 = tpu.memref_slice %arg15[%add3A_84, %dma_wait3A_90] : memref<10000x128xf32, #tpu.memory_space<vmem_shared>> -> memref<80x128xf32, #tpu.memory_space<vmem_shared>>
        %dma_wait3A_92 = arith.constant 0 : i32
        %dma_wait3A_93 = tpu.memref_slice %arg15[%add3A_84, %dma_wait3A_92] : memref<10000x128xf32, #tpu.memory_space<vmem_shared>> -> memref<80x128xf32, #tpu.memory_space<vmem_shared>>
        tpu.wait_dma2 semaphore(%run_scoped3A_85 : memref<!tpu.dma_semaphore, #tpu.memory_space<semaphore_mem>>) src(%arg8 : memref<80x128xf32, #tpu.memory_space<vmem>>) dst(%dma_wait3A_93 : memref<80x128xf32, #tpu.memory_space<vmem_shared>>)
        tpu.yield
      }) : () -> ()
    }
    %scan3A_16 = arith.constant 7 : i32
    %mul3A_17 = arith.constant 625 : i32
    %mul3A_18 = arith.muli %arg1, %mul3A_17 : i32
    %add3A_19 = arith.constant 560 : i32
    %add3A_20 = arith.addi %mul3A_18, %add3A_19 : i32
    "tpu.region"() ({
      %run_scoped3A_75 = tpu.sem_alloc : memref<!tpu.dma_semaphore, #tpu.memory_space<semaphore_mem>>
      %dma_start3A_76 = arith.constant 0 : i32
      %dma_start3A_77 = arith.constant 0 : i32
      %dma_start3A_78 = tpu.memref_slice %arg8[%dma_start3A_76, %dma_start3A_77] : memref<80x128xf32, #tpu.memory_space<vmem>> -> memref<65x128xf32, #tpu.memory_space<vmem>>
      %dma_start3A_79 = arith.constant 0 : i32
      %dma_start3A_80 = tpu.memref_slice %arg15[%add3A_20, %dma_start3A_79] : memref<10000x128xf32, #tpu.memory_space<vmem_shared>> -> memref<65x128xf32, #tpu.memory_space<vmem_shared>>
      %dma_start3A_81 = arith.constant 0 : i32
      %dma_start3A_82 = tpu.memref_slice %arg15[%add3A_20, %dma_start3A_81] : memref<10000x128xf32, #tpu.memory_space<vmem_shared>> -> memref<65x128xf32, #tpu.memory_space<vmem_shared>>
      %dma_start3A_83 = arith.constant 0 : i32
      %dma_start3A_84 = arith.constant 0 : i32
      %dma_start3A_85 = tpu.memref_slice %arg8[%dma_start3A_83, %dma_start3A_84] : memref<80x128xf32, #tpu.memory_space<vmem>> -> memref<65x128xf32, #tpu.memory_space<vmem>>
      tpu.enqueue_dma source(%dma_start3A_85 : memref<65x128xf32, #tpu.memory_space<vmem>>) target(%dma_start3A_82 : memref<65x128xf32, #tpu.memory_space<vmem_shared>>) target_semaphore(%run_scoped3A_75 : memref<!tpu.dma_semaphore, #tpu.memory_space<semaphore_mem>>)
      %dma_wait3A_86 = arith.constant 0 : i32
      %dma_wait3A_87 = arith.constant 0 : i32
      %dma_wait3A_88 = tpu.memref_slice %arg8[%dma_wait3A_86, %dma_wait3A_87] : memref<80x128xf32, #tpu.memory_space<vmem>> -> memref<65x128xf32, #tpu.memory_space<vmem>>
      %dma_wait3A_89 = arith.constant 0 : i32
      %dma_wait3A_90 = tpu.memref_slice %arg15[%add3A_20, %dma_wait3A_89] : memref<10000x128xf32, #tpu.memory_space<vmem_shared>> -> memref<65x128xf32, #tpu.memory_space<vmem_shared>>
      %dma_wait3A_91 = arith.constant 0 : i32
      %dma_wait3A_92 = tpu.memref_slice %arg15[%add3A_20, %dma_wait3A_91] : memref<10000x128xf32, #tpu.memory_space<vmem_shared>> -> memref<65x128xf32, #tpu.memory_space<vmem_shared>>
      %dma_wait3A_93 = arith.constant 0 : i32
      %dma_wait3A_94 = arith.constant 0 : i32
      %dma_wait3A_95 = tpu.memref_slice %arg8[%dma_wait3A_93, %dma_wait3A_94] : memref<80x128xf32, #tpu.memory_space<vmem>> -> memref<65x128xf32, #tpu.memory_space<vmem>>
      tpu.wait_dma2 semaphore(%run_scoped3A_75 : memref<!tpu.dma_semaphore, #tpu.memory_space<semaphore_mem>>) src(%dma_wait3A_95 : memref<65x128xf32, #tpu.memory_space<vmem>>) dst(%dma_wait3A_92 : memref<65x128xf32, #tpu.memory_space<vmem_shared>>)
      tpu.yield
    }) : () -> ()
    %barrier3A = arith.constant 0 : index
    tpu.barrier barrier_id(%barrier3A)
    %broadcast_in_dim3A_21 = arith.constant 1.000000e+00 : f32
    %broadcast_in_dim3A_22 = vector.broadcast %broadcast_in_dim3A_21 : f32 to vector<16xf32>
    %dma_start3A = arith.constant 0 : i32
    %dma_start3A_23 = arith.constant 0 : i32
    %dma_start3A_24 = tpu.memref_slice %arg6[%dma_start3A, %dma_start3A_23] : memref<125x80xi32, #tpu.memory_space<vmem>> -> memref<1x80xi32, #tpu.memory_space<vmem>>
    %dma_start3A_25 = tpu.memref_squeeze %dma_start3A_24 : memref<1x80xi32, #tpu.memory_space<vmem>> -> memref<80xi32, #tpu.memory_space<vmem>>
    %dma_start3A_26 = arith.constant 0 : i32
    %dma_start3A_27 = arith.constant 0 : i32
    %dma_start3A_28 = tpu.memref_slice %arg3[%dma_start3A_26, %dma_start3A_27] : memref<10000x128xf32, #tpu.memory_space<hbm>> -> memref<10000x128xf32, #tpu.memory_space<hbm>>
    tpu.enqueue_indirect_dma source(%dma_start3A_28 : memref<10000x128xf32, #tpu.memory_space<hbm>>) target(%arg8 : memref<80x128xf32, #tpu.memory_space<vmem>>) offsets(%dma_start3A_25 : memref<80xi32, #tpu.memory_space<vmem>>) semaphore(%arg11 : memref<!tpu.dma_semaphore, #tpu.memory_space<semaphore_mem>>)
    %dma_start3A_29 = arith.constant 1 : i32
    %dma_start3A_30 = arith.constant 0 : i32
    %dma_start3A_31 = tpu.memref_slice %arg6[%dma_start3A_29, %dma_start3A_30] : memref<125x80xi32, #tpu.memory_space<vmem>> -> memref<1x80xi32, #tpu.memory_space<vmem>>
    %dma_start3A_32 = tpu.memref_squeeze %dma_start3A_31 : memref<1x80xi32, #tpu.memory_space<vmem>> -> memref<80xi32, #tpu.memory_space<vmem>>
    %dma_start3A_33 = arith.constant 0 : i32
    %dma_start3A_34 = arith.constant 0 : i32
    %dma_start3A_35 = tpu.memref_slice %arg3[%dma_start3A_33, %dma_start3A_34] : memref<10000x128xf32, #tpu.memory_space<hbm>> -> memref<10000x128xf32, #tpu.memory_space<hbm>>
    tpu.enqueue_indirect_dma source(%dma_start3A_35 : memref<10000x128xf32, #tpu.memory_space<hbm>>) target(%arg9 : memref<80x128xf32, #tpu.memory_space<vmem>>) offsets(%dma_start3A_32 : memref<80xi32, #tpu.memory_space<vmem>>) semaphore(%arg12 : memref<!tpu.dma_semaphore, #tpu.memory_space<semaphore_mem>>)
    %scan3A_36 = arith.constant 0 : i32
    %scan3A_37 = arith.constant 62 : i32
    %scan3A_38 = arith.addi %scan3A_36, %scan3A_37 : i32
    %scan3A_39 = arith.constant 1 : i32
    scf.for %scan3A_75 = %scan3A_36 to %scan3A_38 step %scan3A_39  : i32 {
      %mul3A_76 = arith.constant 2 : i32
      %mul3A_77 = arith.muli %scan3A_75, %mul3A_76 : i32
      %add3A_78 = arith.constant 0 : i32
      %add3A_79 = arith.addi %add3A_78, %mul3A_77 : i32
      %dma_wait3A_80 = arith.constant 0 : i32
      %dma_wait3A_81 = tpu.memref_slice %arg6[%add3A_79, %dma_wait3A_80] : memref<125x80xi32, #tpu.memory_space<vmem>> -> memref<1x80xi32, #tpu.memory_space<vmem>>
      %dma_wait3A_82 = tpu.memref_squeeze %dma_wait3A_81 : memref<1x80xi32, #tpu.memory_space<vmem>> -> memref<80xi32, #tpu.memory_space<vmem>>
      %dma_wait3A_83 = arith.constant 0 : i32
      %dma_wait3A_84 = arith.constant 0 : i32
      %dma_wait3A_85 = tpu.memref_slice %arg3[%dma_wait3A_83, %dma_wait3A_84] : memref<10000x128xf32, #tpu.memory_space<hbm>> -> memref<10000x128xf32, #tpu.memory_space<hbm>>
      tpu.wait_indirect_dma semaphore(%arg11 : memref<!tpu.dma_semaphore, #tpu.memory_space<semaphore_mem>>) src(%dma_wait3A_85 : memref<10000x128xf32, #tpu.memory_space<hbm>>) dst(%arg8 : memref<80x128xf32, #tpu.memory_space<vmem>>)
      %dma_start3A_86 = arith.constant 0 : i32
      %dma_start3A_87 = tpu.memref_slice %arg7[%add3A_79, %dma_start3A_86] : memref<125x80xi32, #tpu.memory_space<vmem>> -> memref<1x80xi32, #tpu.memory_space<vmem>>
      %dma_start3A_88 = tpu.memref_squeeze %dma_start3A_87 : memref<1x80xi32, #tpu.memory_space<vmem>> -> memref<80xi32, #tpu.memory_space<vmem>>
      %dma_start3A_89 = arith.constant 0 : i32
      %dma_start3A_90 = arith.constant 0 : i32
      %dma_start3A_91 = tpu.memref_slice %arg15[%dma_start3A_89, %dma_start3A_90] : memref<10000x128xf32, #tpu.memory_space<vmem_shared>> -> memref<10000x128xf32, #tpu.memory_space<vmem_shared>>
      tpu.enqueue_indirect_dma source(%arg8 : memref<80x128xf32, #tpu.memory_space<vmem>>) target(%dma_start3A_91 : memref<10000x128xf32, #tpu.memory_space<vmem_shared>>) offsets(%dma_start3A_88 : memref<80xi32, #tpu.memory_space<vmem>>) semaphore(%arg13 : memref<!tpu.dma_semaphore, #tpu.memory_space<semaphore_mem>>) {add = true}
      %get3A_92 = arith.index_cast %add3A_79 : i32 to index
      %get3A_93 = arith.constant 0 : index
      %get3A_94 = tpu.vector_load %arg7[%get3A_92, %get3A_93] {strides = array<i32>} : memref<125x80xi32, #tpu.memory_space<vmem>>, vector<16xi32>,
      tpu.vector_store_idx %arg10[%get3A_94], %broadcast_in_dim3A_22 {add = true} : memref<10000xf32, #tpu.memory_space<vmem>>[vector<16xi32>], vector<16xf32>,
      %get3A_95 = arith.index_cast %add3A_79 : i32 to index
      %get3A_96 = arith.constant 16 : index
      %get3A_97 = tpu.vector_load %arg7[%get3A_95, %get3A_96] {strides = array<i32>} : memref<125x80xi32, #tpu.memory_space<vmem>>, vector<16xi32>,
      tpu.vector_store_idx %arg10[%get3A_97], %broadcast_in_dim3A_22 {add = true} : memref<10000xf32, #tpu.memory_space<vmem>>[vector<16xi32>], vector<16xf32>,
      %get3A_98 = arith.index_cast %add3A_79 : i32 to index
      %get3A_99 = arith.constant 32 : index
      %get3A_100 = tpu.vector_load %arg7[%get3A_98, %get3A_99] {strides = array<i32>} : memref<125x80xi32, #tpu.memory_space<vmem>>, vector<16xi32>,
      tpu.vector_store_idx %arg10[%get3A_100], %broadcast_in_dim3A_22 {add = true} : memref<10000xf32, #tpu.memory_space<vmem>>[vector<16xi32>], vector<16xf32>,
      %get3A_101 = arith.index_cast %add3A_79 : i32 to index
      %get3A_102 = arith.constant 48 : index
      %get3A_103 = tpu.vector_load %arg7[%get3A_101, %get3A_102] {strides = array<i32>} : memref<125x80xi32, #tpu.memory_space<vmem>>, vector<16xi32>,
      tpu.vector_store_idx %arg10[%get3A_103], %broadcast_in_dim3A_22 {add = true} : memref<10000xf32, #tpu.memory_space<vmem>>[vector<16xi32>], vector<16xf32>,
      %get3A_104 = arith.index_cast %add3A_79 : i32 to index
      %get3A_105 = arith.constant 64 : index
      %get3A_106 = tpu.vector_load %arg7[%get3A_104, %get3A_105] {strides = array<i32>} : memref<125x80xi32, #tpu.memory_space<vmem>>, vector<16xi32>,
      tpu.vector_store_idx %arg10[%get3A_106], %broadcast_in_dim3A_22 {add = true} : memref<10000xf32, #tpu.memory_space<vmem>>[vector<16xi32>], vector<16xf32>,
      %add3A_107 = arith.constant 1 : i32
      %add3A_108 = arith.addi %add3A_79, %add3A_107 : i32
      %dma_wait3A_109 = arith.constant 0 : i32
      %dma_wait3A_110 = tpu.memref_slice %arg6[%add3A_108, %dma_wait3A_109] : memref<125x80xi32, #tpu.memory_space<vmem>> -> memref<1x80xi32, #tpu.memory_space<vmem>>
      %dma_wait3A_111 = tpu.memref_squeeze %dma_wait3A_110 : memref<1x80xi32, #tpu.memory_space<vmem>> -> memref<80xi32, #tpu.memory_space<vmem>>
      %dma_wait3A_112 = arith.constant 0 : i32
      %dma_wait3A_113 = arith.constant 0 : i32
      %dma_wait3A_114 = tpu.memref_slice %arg3[%dma_wait3A_112, %dma_wait3A_113] : memref<10000x128xf32, #tpu.memory_space<hbm>> -> memref<10000x128xf32, #tpu.memory_space<hbm>>
      tpu.wait_indirect_dma semaphore(%arg12 : memref<!tpu.dma_semaphore, #tpu.memory_space<semaphore_mem>>) src(%dma_wait3A_114 : memref<10000x128xf32, #tpu.memory_space<hbm>>) dst(%arg9 : memref<80x128xf32, #tpu.memory_space<vmem>>)
      %add3A_115 = arith.constant 1 : i32
      %add3A_116 = arith.addi %add3A_79, %add3A_115 : i32
      %dma_start3A_117 = arith.constant 0 : i32
      %dma_start3A_118 = tpu.memref_slice %arg7[%add3A_116, %dma_start3A_117] : memref<125x80xi32, #tpu.memory_space<vmem>> -> memref<1x80xi32, #tpu.memory_space<vmem>>
      %dma_start3A_119 = tpu.memref_squeeze %dma_start3A_118 : memref<1x80xi32, #tpu.memory_space<vmem>> -> memref<80xi32, #tpu.memory_space<vmem>>
      %dma_start3A_120 = arith.constant 0 : i32
      %dma_start3A_121 = arith.constant 0 : i32
      %dma_start3A_122 = tpu.memref_slice %arg15[%dma_start3A_120, %dma_start3A_121] : memref<10000x128xf32, #tpu.memory_space<vmem_shared>> -> memref<10000x128xf32, #tpu.memory_space<vmem_shared>>
      tpu.enqueue_indirect_dma source(%arg9 : memref<80x128xf32, #tpu.memory_space<vmem>>) target(%dma_start3A_122 : memref<10000x128xf32, #tpu.memory_space<vmem_shared>>) offsets(%dma_start3A_119 : memref<80xi32, #tpu.memory_space<vmem>>) semaphore(%arg14 : memref<!tpu.dma_semaphore, #tpu.memory_space<semaphore_mem>>) {add = true}
      %add3A_123 = arith.constant 1 : i32
      %add3A_124 = arith.addi %add3A_79, %add3A_123 : i32
      %get3A_125 = arith.index_cast %add3A_124 : i32 to index
      %get3A_126 = arith.constant 0 : index
      %get3A_127 = tpu.vector_load %arg7[%get3A_125, %get3A_126] {strides = array<i32>} : memref<125x80xi32, #tpu.memory_space<vmem>>, vector<16xi32>,
      tpu.vector_store_idx %arg10[%get3A_127], %broadcast_in_dim3A_22 {add = true} : memref<10000xf32, #tpu.memory_space<vmem>>[vector<16xi32>], vector<16xf32>,
      %get3A_128 = arith.index_cast %add3A_124 : i32 to index
      %get3A_129 = arith.constant 16 : index
      %get3A_130 = tpu.vector_load %arg7[%get3A_128, %get3A_129] {strides = array<i32>} : memref<125x80xi32, #tpu.memory_space<vmem>>, vector<16xi32>,
      tpu.vector_store_idx %arg10[%get3A_130], %broadcast_in_dim3A_22 {add = true} : memref<10000xf32, #tpu.memory_space<vmem>>[vector<16xi32>], vector<16xf32>,
      %get3A_131 = arith.index_cast %add3A_124 : i32 to index
      %get3A_132 = arith.constant 32 : index
      %get3A_133 = tpu.vector_load %arg7[%get3A_131, %get3A_132] {strides = array<i32>} : memref<125x80xi32, #tpu.memory_space<vmem>>, vector<16xi32>,
      tpu.vector_store_idx %arg10[%get3A_133], %broadcast_in_dim3A_22 {add = true} : memref<10000xf32, #tpu.memory_space<vmem>>[vector<16xi32>], vector<16xf32>,
      %get3A_134 = arith.index_cast %add3A_124 : i32 to index
      %get3A_135 = arith.constant 48 : index
      %get3A_136 = tpu.vector_load %arg7[%get3A_134, %get3A_135] {strides = array<i32>} : memref<125x80xi32, #tpu.memory_space<vmem>>, vector<16xi32>,
      tpu.vector_store_idx %arg10[%get3A_136], %broadcast_in_dim3A_22 {add = true} : memref<10000xf32, #tpu.memory_space<vmem>>[vector<16xi32>], vector<16xf32>,
      %get3A_137 = arith.index_cast %add3A_124 : i32 to index
      %get3A_138 = arith.constant 64 : index
      %get3A_139 = tpu.vector_load %arg7[%get3A_137, %get3A_138] {strides = array<i32>} : memref<125x80xi32, #tpu.memory_space<vmem>>, vector<16xi32>,
      tpu.vector_store_idx %arg10[%get3A_139], %broadcast_in_dim3A_22 {add = true} : memref<10000xf32, #tpu.memory_space<vmem>>[vector<16xi32>], vector<16xf32>,
      %dma_wait3A_140 = arith.constant 0 : i32
      %dma_wait3A_141 = tpu.memref_slice %arg7[%add3A_79, %dma_wait3A_140] : memref<125x80xi32, #tpu.memory_space<vmem>> -> memref<1x80xi32, #tpu.memory_space<vmem>>
      %dma_wait3A_142 = tpu.memref_squeeze %dma_wait3A_141 : memref<1x80xi32, #tpu.memory_space<vmem>> -> memref<80xi32, #tpu.memory_space<vmem>>
      %dma_wait3A_143 = arith.constant 0 : i32
      %dma_wait3A_144 = arith.constant 0 : i32
      %dma_wait3A_145 = tpu.memref_slice %arg15[%dma_wait3A_143, %dma_wait3A_144] : memref<10000x128xf32, #tpu.memory_space<vmem_shared>> -> memref<10000x128xf32, #tpu.memory_space<vmem_shared>>
      tpu.wait_indirect_dma semaphore(%arg13 : memref<!tpu.dma_semaphore, #tpu.memory_space<semaphore_mem>>) src(%arg8 : memref<80x128xf32, #tpu.memory_space<vmem>>) dst(%dma_wait3A_145 : memref<10000x128xf32, #tpu.memory_space<vmem_shared>>)
      %add3A_146 = arith.constant 2 : i32
      %add3A_147 = arith.addi %add3A_79, %add3A_146 : i32
      %lt3A = arith.constant 125 : i32
      %lt3A_148 = arith.cmpi slt, %add3A_147, %lt3A : i32
      %convert_element_type3A = arith.extui %lt3A_148 : i1 to i32
      %cond3A = arith.constant 0 : i32
      %cond3A_149 = arith.cmpi ne, %convert_element_type3A, %cond3A : i32
      scf.if %cond3A_149 {
        %add3A_165 = arith.constant 2 : i32
        %add3A_166 = arith.addi %add3A_79, %add3A_165 : i32
        %dma_start3A_167 = arith.constant 0 : i32
        %dma_start3A_168 = tpu.memref_slice %arg6[%add3A_166, %dma_start3A_167] : memref<125x80xi32, #tpu.memory_space<vmem>> -> memref<1x80xi32, #tpu.memory_space<vmem>>
        %dma_start3A_169 = tpu.memref_squeeze %dma_start3A_168 : memref<1x80xi32, #tpu.memory_space<vmem>> -> memref<80xi32, #tpu.memory_space<vmem>>
        %dma_start3A_170 = arith.constant 0 : i32
        %dma_start3A_171 = arith.constant 0 : i32
        %dma_start3A_172 = tpu.memref_slice %arg3[%dma_start3A_170, %dma_start3A_171] : memref<10000x128xf32, #tpu.memory_space<hbm>> -> memref<10000x128xf32, #tpu.memory_space<hbm>>
        tpu.enqueue_indirect_dma source(%dma_start3A_172 : memref<10000x128xf32, #tpu.memory_space<hbm>>) target(%arg8 : memref<80x128xf32, #tpu.memory_space<vmem>>) offsets(%dma_start3A_169 : memref<80xi32, #tpu.memory_space<vmem>>) semaphore(%arg11 : memref<!tpu.dma_semaphore, #tpu.memory_space<semaphore_mem>>)
      } else {
      }
      %add3A_150 = arith.constant 1 : i32
      %add3A_151 = arith.addi %add3A_79, %add3A_150 : i32
      %dma_wait3A_152 = arith.constant 0 : i32
      %dma_wait3A_153 = tpu.memref_slice %arg7[%add3A_151, %dma_wait3A_152] : memref<125x80xi32, #tpu.memory_space<vmem>> -> memref<1x80xi32, #tpu.memory_space<vmem>>
      %dma_wait3A_154 = tpu.memref_squeeze %dma_wait3A_153 : memref<1x80xi32, #tpu.memory_space<vmem>> -> memref<80xi32, #tpu.memory_space<vmem>>
      %dma_wait3A_155 = arith.constant 0 : i32
      %dma_wait3A_156 = arith.constant 0 : i32
      %dma_wait3A_157 = tpu.memref_slice %arg15[%dma_wait3A_155, %dma_wait3A_156] : memref<10000x128xf32, #tpu.memory_space<vmem_shared>> -> memref<10000x128xf32, #tpu.memory_space<vmem_shared>>
      tpu.wait_indirect_dma semaphore(%arg14 : memref<!tpu.dma_semaphore, #tpu.memory_space<semaphore_mem>>) src(%arg9 : memref<80x128xf32, #tpu.memory_space<vmem>>) dst(%dma_wait3A_157 : memref<10000x128xf32, #tpu.memory_space<vmem_shared>>)
      %add3A_158 = arith.constant 3 : i32
      %add3A_159 = arith.addi %add3A_79, %add3A_158 : i32
      %lt3A_160 = arith.constant 125 : i32
      %lt3A_161 = arith.cmpi slt, %add3A_159, %lt3A_160 : i32
      %convert_element_type3A_162 = arith.extui %lt3A_161 : i1 to i32
      %cond3A_163 = arith.constant 0 : i32
      %cond3A_164 = arith.cmpi ne, %convert_element_type3A_162, %cond3A_163 : i32
      scf.if %cond3A_164 {
        %add3A_165 = arith.constant 3 : i32
        %add3A_166 = arith.addi %add3A_79, %add3A_165 : i32
        %dma_start3A_167 = arith.constant 0 : i32
        %dma_start3A_168 = tpu.memref_slice %arg6[%add3A_166, %dma_start3A_167] : memref<125x80xi32, #tpu.memory_space<vmem>> -> memref<1x80xi32, #tpu.memory_space<vmem>>
        %dma_start3A_169 = tpu.memref_squeeze %dma_start3A_168 : memref<1x80xi32, #tpu.memory_space<vmem>> -> memref<80xi32, #tpu.memory_space<vmem>>
        %dma_start3A_170 = arith.constant 0 : i32
        %dma_start3A_171 = arith.constant 0 : i32
        %dma_start3A_172 = tpu.memref_slice %arg3[%dma_start3A_170, %dma_start3A_171] : memref<10000x128xf32, #tpu.memory_space<hbm>> -> memref<10000x128xf32, #tpu.memory_space<hbm>>
        tpu.enqueue_indirect_dma source(%dma_start3A_172 : memref<10000x128xf32, #tpu.memory_space<hbm>>) target(%arg9 : memref<80x128xf32, #tpu.memory_space<vmem>>) offsets(%dma_start3A_169 : memref<80xi32, #tpu.memory_space<vmem>>) semaphore(%arg12 : memref<!tpu.dma_semaphore, #tpu.memory_space<semaphore_mem>>)
      } else {
      }
    }
    %scan3A_40 = arith.constant 62 : i32
    %dma_wait3A = arith.constant 124 : i32
    %dma_wait3A_41 = arith.constant 0 : i32
    %dma_wait3A_42 = tpu.memref_slice %arg6[%dma_wait3A, %dma_wait3A_41] : memref<125x80xi32, #tpu.memory_space<vmem>> -> memref<1x80xi32, #tpu.memory_space<vmem>>
    %dma_wait3A_43 = tpu.memref_squeeze %dma_wait3A_42 : memref<1x80xi32, #tpu.memory_space<vmem>> -> memref<80xi32, #tpu.memory_space<vmem>>
    %dma_wait3A_44 = arith.constant 0 : i32
    %dma_wait3A_45 = arith.constant 0 : i32
    %dma_wait3A_46 = tpu.memref_slice %arg3[%dma_wait3A_44, %dma_wait3A_45] : memref<10000x128xf32, #tpu.memory_space<hbm>> -> memref<10000x128xf32, #tpu.memory_space<hbm>>
    tpu.wait_indirect_dma semaphore(%arg11 : memref<!tpu.dma_semaphore, #tpu.memory_space<semaphore_mem>>) src(%dma_wait3A_46 : memref<10000x128xf32, #tpu.memory_space<hbm>>) dst(%arg8 : memref<80x128xf32, #tpu.memory_space<vmem>>)
    %run_scoped3A_47 = arith.constant 124 : i32
    "tpu.region"() ({
      %run_scoped3A_75 = tpu.sem_alloc : memref<!tpu.dma_semaphore, #tpu.memory_space<semaphore_mem>>
      %dma_start3A_76 = arith.constant 0 : i32
      %dma_start3A_77 = tpu.memref_slice %arg7[%run_scoped3A_47, %dma_start3A_76] : memref<125x80xi32, #tpu.memory_space<vmem>> -> memref<1x80xi32, #tpu.memory_space<vmem>>
      %dma_start3A_78 = tpu.memref_squeeze %dma_start3A_77 : memref<1x80xi32, #tpu.memory_space<vmem>> -> memref<80xi32, #tpu.memory_space<vmem>>
      %dma_start3A_79 = arith.constant 0 : i32
      %dma_start3A_80 = arith.constant 0 : i32
      %dma_start3A_81 = tpu.memref_slice %arg15[%dma_start3A_79, %dma_start3A_80] : memref<10000x128xf32, #tpu.memory_space<vmem_shared>> -> memref<10000x128xf32, #tpu.memory_space<vmem_shared>>
      tpu.enqueue_indirect_dma source(%arg8 : memref<80x128xf32, #tpu.memory_space<vmem>>) target(%dma_start3A_81 : memref<10000x128xf32, #tpu.memory_space<vmem_shared>>) offsets(%dma_start3A_78 : memref<80xi32, #tpu.memory_space<vmem>>) semaphore(%run_scoped3A_75 : memref<!tpu.dma_semaphore, #tpu.memory_space<semaphore_mem>>) {add = true}
      %dma_wait3A_82 = arith.constant 0 : i32
      %dma_wait3A_83 = tpu.memref_slice %arg7[%run_scoped3A_47, %dma_wait3A_82] : memref<125x80xi32, #tpu.memory_space<vmem>> -> memref<1x80xi32, #tpu.memory_space<vmem>>
      %dma_wait3A_84 = tpu.memref_squeeze %dma_wait3A_83 : memref<1x80xi32, #tpu.memory_space<vmem>> -> memref<80xi32, #tpu.memory_space<vmem>>
      %dma_wait3A_85 = arith.constant 0 : i32
      %dma_wait3A_86 = arith.constant 0 : i32
      %dma_wait3A_87 = tpu.memref_slice %arg15[%dma_wait3A_85, %dma_wait3A_86] : memref<10000x128xf32, #tpu.memory_space<vmem_shared>> -> memref<10000x128xf32, #tpu.memory_space<vmem_shared>>
      tpu.wait_indirect_dma semaphore(%run_scoped3A_75 : memref<!tpu.dma_semaphore, #tpu.memory_space<semaphore_mem>>) src(%arg8 : memref<80x128xf32, #tpu.memory_space<vmem>>) dst(%dma_wait3A_87 : memref<10000x128xf32, #tpu.memory_space<vmem_shared>>)
      tpu.yield
    }) : () -> ()
    %get3A = arith.constant 124 : i32
    %get3A_48 = arith.index_cast %get3A : i32 to index
    %get3A_49 = arith.constant 0 : index
    %get3A_50 = tpu.vector_load %arg7[%get3A_48, %get3A_49] {strides = array<i32>} : memref<125x80xi32, #tpu.memory_space<vmem>>, vector<16xi32>,
    tpu.vector_store_idx %arg10[%get3A_50], %broadcast_in_dim3A_22 {add = true} : memref<10000xf32, #tpu.memory_space<vmem>>[vector<16xi32>], vector<16xf32>,
    %get3A_51 = arith.constant 124 : i32
    %get3A_52 = arith.index_cast %get3A_51 : i32 to index
    %get3A_53 = arith.constant 16 : index
    %get3A_54 = tpu.vector_load %arg7[%get3A_52, %get3A_53] {strides = array<i32>} : memref<125x80xi32, #tpu.memory_space<vmem>>, vector<16xi32>,
    tpu.vector_store_idx %arg10[%get3A_54], %broadcast_in_dim3A_22 {add = true} : memref<10000xf32, #tpu.memory_space<vmem>>[vector<16xi32>], vector<16xf32>,
    %get3A_55 = arith.constant 124 : i32
    %get3A_56 = arith.index_cast %get3A_55 : i32 to index
    %get3A_57 = arith.constant 32 : index
    %get3A_58 = tpu.vector_load %arg7[%get3A_56, %get3A_57] {strides = array<i32>} : memref<125x80xi32, #tpu.memory_space<vmem>>, vector<16xi32>,
    tpu.vector_store_idx %arg10[%get3A_58], %broadcast_in_dim3A_22 {add = true} : memref<10000xf32, #tpu.memory_space<vmem>>[vector<16xi32>], vector<16xf32>,
    %get3A_59 = arith.constant 124 : i32
    %get3A_60 = arith.index_cast %get3A_59 : i32 to index
    %get3A_61 = arith.constant 48 : index
    %get3A_62 = tpu.vector_load %arg7[%get3A_60, %get3A_61] {strides = array<i32>} : memref<125x80xi32, #tpu.memory_space<vmem>>, vector<16xi32>,
    tpu.vector_store_idx %arg10[%get3A_62], %broadcast_in_dim3A_22 {add = true} : memref<10000xf32, #tpu.memory_space<vmem>>[vector<16xi32>], vector<16xf32>,
    %get3A_63 = arith.constant 124 : i32
    %get3A_64 = arith.index_cast %get3A_63 : i32 to index
    %get3A_65 = arith.constant 64 : index
    %get3A_66 = tpu.vector_load %arg7[%get3A_64, %get3A_65] {strides = array<i32>} : memref<125x80xi32, #tpu.memory_space<vmem>>, vector<16xi32>,
    tpu.vector_store_idx %arg10[%get3A_66], %broadcast_in_dim3A_22 {add = true} : memref<10000xf32, #tpu.memory_space<vmem>>[vector<16xi32>], vector<16xf32>,
    %barrier3A_67 = arith.constant 0 : index
    tpu.barrier barrier_id(%barrier3A_67)
    %mul3A_68 = arith.constant 625 : i32
    %mul3A_69 = arith.muli %arg1, %mul3A_68 : i32
    %mul3A_70 = arith.constant 10000 : i32
    %mul3A_71 = arith.muli %arg0, %mul3A_70 : i32
    %mul3A_72 = arith.constant 625 : i32
    %mul3A_73 = arith.muli %arg1, %mul3A_72 : i32
    %add3A_74 = arith.addi %mul3A_71, %mul3A_73 : i32
    "tpu.region"() ({
      %run_scoped3A_75 = tpu.sem_alloc : memref<!tpu.dma_semaphore, #tpu.memory_space<semaphore_mem>>
      %dma_start3A_76 = arith.constant 0 : i32
      %dma_start3A_77 = tpu.memref_slice %arg4[%add3A_74, %dma_start3A_76] : memref<20000x128xf32, #tpu.memory_space<hbm>> -> memref<625x128xf32, #tpu.memory_space<hbm>>
      %dma_start3A_78 = arith.constant 0 : i32
      %dma_start3A_79 = tpu.memref_slice %arg15[%mul3A_69, %dma_start3A_78] : memref<10000x128xf32, #tpu.memory_space<vmem_shared>> -> memref<625x128xf32, #tpu.memory_space<vmem_shared>>
      tpu.enqueue_dma source(%dma_start3A_79 : memref<625x128xf32, #tpu.memory_space<vmem_shared>>) target(%dma_start3A_77 : memref<625x128xf32, #tpu.memory_space<hbm>>) target_semaphore(%run_scoped3A_75 : memref<!tpu.dma_semaphore, #tpu.memory_space<semaphore_mem>>)
      %dma_wait3A_80 = arith.constant 0 : i32
      %dma_wait3A_81 = tpu.memref_slice %arg4[%add3A_74, %dma_wait3A_80] : memref<20000x128xf32, #tpu.memory_space<hbm>> -> memref<625x128xf32, #tpu.memory_space<hbm>>
      %dma_wait3A_82 = arith.constant 0 : i32
      %dma_wait3A_83 = tpu.memref_slice %arg15[%mul3A_69, %dma_wait3A_82] : memref<10000x128xf32, #tpu.memory_space<vmem_shared>> -> memref<625x128xf32, #tpu.memory_space<vmem_shared>>
      tpu.wait_dma2 semaphore(%run_scoped3A_75 : memref<!tpu.dma_semaphore, #tpu.memory_space<semaphore_mem>>) src(%dma_wait3A_83 : memref<625x128xf32, #tpu.memory_space<vmem_shared>>) dst(%dma_wait3A_81 : memref<625x128xf32, #tpu.memory_space<hbm>>)
      tpu.yield
    }) : () -> ()
    "tpu.region"() ({
      %run_scoped3A_75 = tpu.sem_alloc : memref<!tpu.dma_semaphore, #tpu.memory_space<semaphore_mem>>
      %dma_start3A_76 = arith.constant 0 : i32
      %dma_start3A_77 = tpu.memref_slice %arg5[%add3A, %dma_start3A_76] : memref<32x10000xf32, #tpu.memory_space<hbm>> -> memref<1x10000xf32, #tpu.memory_space<hbm>>
      %dma_start3A_78 = tpu.memref_squeeze %dma_start3A_77 : memref<1x10000xf32, #tpu.memory_space<hbm>> -> memref<10000xf32, #tpu.memory_space<hbm>>
      %dma_start3A_79 = arith.constant 0 : i32
      %dma_start3A_80 = tpu.memref_slice %arg5[%add3A, %dma_start3A_79] : memref<32x10000xf32, #tpu.memory_space<hbm>> -> memref<1x10000xf32, #tpu.memory_space<hbm>>
      %dma_start3A_81 = tpu.memref_squeeze %dma_start3A_80 : memref<1x10000xf32, #tpu.memory_space<hbm>> -> memref<10000xf32, #tpu.memory_space<hbm>>
      tpu.enqueue_dma source(%arg10 : memref<10000xf32, #tpu.memory_space<vmem>>) target(%dma_start3A_81 : memref<10000xf32, #tpu.memory_space<hbm>>) target_semaphore(%run_scoped3A_75 : memref<!tpu.dma_semaphore, #tpu.memory_space<semaphore_mem>>)
      %dma_wait3A_82 = arith.constant 0 : i32
      %dma_wait3A_83 = tpu.memref_slice %arg5[%add3A, %dma_wait3A_82] : memref<32x10000xf32, #tpu.memory_space<hbm>> -> memref<1x10000xf32, #tpu.memory_space<hbm>>
      %dma_wait3A_84 = tpu.memref_squeeze %dma_wait3A_83 : memref<1x10000xf32, #tpu.memory_space<hbm>> -> memref<10000xf32, #tpu.memory_space<hbm>>
      %dma_wait3A_85 = arith.constant 0 : i32
      %dma_wait3A_86 = tpu.memref_slice %arg5[%add3A, %dma_wait3A_85] : memref<32x10000xf32, #tpu.memory_space<hbm>> -> memref<1x10000xf32, #tpu.memory_space<hbm>>
      %dma_wait3A_87 = tpu.memref_squeeze %dma_wait3A_86 : memref<1x10000xf32, #tpu.memory_space<hbm>> -> memref<10000xf32, #tpu.memory_space<hbm>>
      tpu.wait_dma2 semaphore(%run_scoped3A_75 : memref<!tpu.dma_semaphore, #tpu.memory_space<semaphore_mem>>) src(%arg10 : memref<10000xf32, #tpu.memory_space<vmem>>) dst(%dma_wait3A_87 : memref<10000xf32, #tpu.memory_space<hbm>>)
      tpu.yield
    }) : () -> ()
    return
  }
}

module attributes {stable_mosaic.version = 14 : i64} {
  func.func @body(%arg0: i32, %arg1: i32, %arg2: memref<1000x128xf32, #tpu.memory_space<vmem>>, %arg3: memref<1000x128xf32, #tpu.memory_space<vmem>>, %arg4: memref<32x10x1000xf32, #tpu.memory_space<vmem>>, %arg5: memref<1000x128xf32, #tpu.memory_space<vmem>>, %arg6: memref<128x128xf32, #tpu.memory_space<vmem>>, %arg7: memref<1x128xf32, #tpu.memory_space<vmem>>, %arg8: memref<1x128xf32, #tpu.memory_space<vmem>>, %arg9: memref<1x128xf32, #tpu.memory_space<vmem>>, %arg10: memref<1000x128xf32, #tpu.memory_space<vmem>>, %arg11: memref<10000x128xf32, #tpu.memory_space<vmem>>, %arg12: memref<2x128xf32, #tpu.memory_space<vmem>>) attributes {dimension_semantics = [#tpu.dimension_semantics<arbitrary>, #tpu.dimension_semantics<arbitrary>], iteration_bounds = array<i64: 2, 10>, scalar_prefetch = 0 : i64, scratch_operands = 2 : i64, tpu.core_type = #tpu.core_type<tc>, window_params = [{transform_indices = @transform_0, window_bounds = array<i64: 1000, 128>}, {transform_indices = @transform_1, window_bounds = array<i64: 1000, 128>}, {pipeline_mode = #tpu.pipeline_mode<synchronous>, transform_indices = @transform_2, window_bounds = array<i64: 32, 10, 1000>}, {transform_indices = @transform_3, window_bounds = array<i64: 1000, 128>}, {pipeline_mode = #tpu.pipeline_mode<synchronous>, transform_indices = @transform_4, window_bounds = array<i64: 128, 128>}, {pipeline_mode = #tpu.pipeline_mode<synchronous>, transform_indices = @transform_5, window_bounds = array<i64: 1, 128>}, {pipeline_mode = #tpu.pipeline_mode<synchronous>, transform_indices = @transform_6, window_bounds = array<i64: 1, 128>}, {pipeline_mode = #tpu.pipeline_mode<synchronous>, transform_indices = @transform_7, window_bounds = array<i64: 1, 128>}, {transform_indices = @transform_8, window_bounds = array<i64: 1000, 128>}]} {
    %eq3A = arith.constant 0 : i32
    %eq3A_0 = arith.cmpi eq, %arg0, %eq3A : i32
    %convert_element_type3A = arith.extui %eq3A_0 : i1 to i32
    %cond3A = arith.constant 0 : i32
    %cond3A_1 = arith.cmpi ne, %convert_element_type3A, %cond3A : i32
    scf.if %cond3A_1 {
      %get3A = arith.constant 0 : index
      %get3A_7 = arith.constant 0 : index
      %get3A_8 = vector.load %arg2[%get3A, %get3A_7] : memref<1000x128xf32, #tpu.memory_space<vmem>>, vector<1000x128xf32>
      %get3A_9 = arith.constant 0 : index
      %get3A_10 = arith.constant 0 : index
      %get3A_11 = vector.load %arg3[%get3A_9, %get3A_10] : memref<1000x128xf32, #tpu.memory_space<vmem>>, vector<1000x128xf32>
      %add3A = arith.addf %get3A_8, %get3A_11 : vector<1000x128xf32>
      %get3A_12 = arith.constant 0 : index
      %get3A_13 = arith.index_cast %arg1 : i32 to index
      %get3A_14 = arith.constant 0 : index
      %get3A_15 = vector.load %arg4[%get3A_12, %get3A_13, %get3A_14] : memref<32x10x1000xf32, #tpu.memory_space<vmem>>, vector<32x1x1000xf32>
      %reduce_sum3A = arith.constant dense<0.000000e+00> : vector<1x1000xf32>
      %reduce_sum3A_16 = vector.multi_reduction <add>, %get3A_15, %reduce_sum3A [0] : vector<32x1x1000xf32> to vector<1x1000xf32>
      %squeeze3A = vector.shape_cast %reduce_sum3A_16 : vector<1x1000xf32> to vector<1000xf32>
      %max3A = arith.constant 1.000000e+00 : f32
      %max3A_17 = vector.broadcast %max3A : f32 to vector<1000xf32>
      %max3A_18 = arith.maximumf %squeeze3A, %max3A_17 : vector<1000xf32>
      %broadcast_in_dim3A = vector.shape_cast %max3A_18 : vector<1000xf32> to vector<1000x1xf32>
      %div3A = vector.broadcast %broadcast_in_dim3A : vector<1000x1xf32> to vector<1000x128xf32>
      %div3A_19 = arith.divf %add3A, %div3A : vector<1000x128xf32>
      %get3A_20 = arith.constant 0 : index
      %get3A_21 = arith.constant 0 : index
      %get3A_22 = vector.load %arg5[%get3A_20, %get3A_21] : memref<1000x128xf32, #tpu.memory_space<vmem>>, vector<1000x128xf32>
      %add3A_23 = arith.addf %div3A_19, %get3A_22 : vector<1000x128xf32>
      %get3A_24 = arith.constant 0 : index
      %get3A_25 = arith.constant 0 : index
      %get3A_26 = vector.load %arg6[%get3A_24, %get3A_25] : memref<128x128xf32, #tpu.memory_space<vmem>>, vector<128x128xf32>
      %dot_general3A = arith.constant dense<0.000000e+00> : vector<1000x128xf32>
      %dot_general3A_27 = tpu.matmul %add3A_23, %get3A_26, %dot_general3A {dimension_numbers = #tpu.dot_dimension_numbers<[1], [1], [0], [0], [0, 0, 1, 0], [], []>, transpose_lhs_hint = false} : vector<1000x128xf32>, vector<128x128xf32>, vector<1000x128xf32> -> vector<1000x128xf32>
      %get3A_28 = arith.constant 0 : index
      %get3A_29 = arith.constant 0 : index
      %get3A_30 = vector.load %arg7[%get3A_28, %get3A_29] : memref<1x128xf32, #tpu.memory_space<vmem>>, vector<1x128xf32>
      %add3A_31 = vector.broadcast %get3A_30 : vector<1x128xf32> to vector<1000x128xf32>
      %add3A_32 = arith.addf %dot_general3A_27, %add3A_31 : vector<1000x128xf32>
      %mul3A = arith.constant 1000 : i32
      %mul3A_33 = arith.muli %arg1, %mul3A : i32
      %swap3A = arith.index_cast %mul3A_33 : i32 to index
      %swap3A_34 = arith.constant 0 : index
      %swap3A_35 = vector.load %arg11[%swap3A, %swap3A_34] : memref<10000x128xf32, #tpu.memory_space<vmem>>, vector<1000x128xf32>
      tpu.vector_store %arg11[%swap3A, %swap3A_34], %add3A_32 {strides = array<i32>} : memref<10000x128xf32, #tpu.memory_space<vmem>>, vector<1000x128xf32>,
      %eq3A_36 = arith.constant 0 : i32
      %eq3A_37 = arith.cmpi eq, %arg1, %eq3A_36 : i32
      %convert_element_type3A_38 = arith.extui %eq3A_37 : i1 to i32
      %cond3A_39 = arith.constant 0 : i32
      %cond3A_40 = arith.cmpi ne, %convert_element_type3A_38, %cond3A_39 : i32
      scf.if %cond3A_40 {
        %broadcast_in_dim3A_62 = arith.constant 0.000000e+00 : f32
        %broadcast_in_dim3A_63 = vector.broadcast %broadcast_in_dim3A_62 : f32 to vector<2x128xf32>
        %swap3A_64 = arith.constant 0 : index
        %swap3A_65 = arith.constant 0 : index
        %swap3A_66 = vector.load %arg12[%swap3A_64, %swap3A_65] : memref<2x128xf32, #tpu.memory_space<vmem>>, vector<2x128xf32>
        tpu.vector_store %arg12[%swap3A_64, %swap3A_65], %broadcast_in_dim3A_63 {strides = array<i32>} : memref<2x128xf32, #tpu.memory_space<vmem>>, vector<2x128xf32>,
      } else {
      }
      %get3A_41 = arith.constant 0 : index
      %get3A_42 = arith.constant 0 : index
      %get3A_43 = vector.load %arg12[%get3A_41, %get3A_42] : memref<2x128xf32, #tpu.memory_space<vmem>>, vector<1x128xf32>
      %reduce_sum3A_44 = arith.constant dense<0.000000e+00> : vector<128xf32>
      %reduce_sum3A_45 = vector.multi_reduction <add>, %add3A_32, %reduce_sum3A_44 [0] : vector<1000x128xf32> to vector<128xf32>
      %broadcast_in_dim3A_46 = vector.shape_cast %reduce_sum3A_45 : vector<128xf32> to vector<1x128xf32>
      %add3A_47 = arith.addf %get3A_43, %broadcast_in_dim3A_46 : vector<1x128xf32>
      %swap3A_48 = arith.constant 0 : index
      %swap3A_49 = arith.constant 0 : index
      %swap3A_50 = vector.load %arg12[%swap3A_48, %swap3A_49] : memref<2x128xf32, #tpu.memory_space<vmem>>, vector<1x128xf32>
      tpu.vector_store %arg12[%swap3A_48, %swap3A_49], %add3A_47 {strides = array<i32>} : memref<2x128xf32, #tpu.memory_space<vmem>>, vector<1x128xf32>,
      %get3A_51 = arith.constant 1 : index
      %get3A_52 = arith.constant 0 : index
      %get3A_53 = vector.load %arg12[%get3A_51, %get3A_52] : memref<2x128xf32, #tpu.memory_space<vmem>>, vector<1x128xf32>
      %mul3A_54 = arith.mulf %add3A_32, %add3A_32 : vector<1000x128xf32>
      %reduce_sum3A_55 = arith.constant dense<0.000000e+00> : vector<128xf32>
      %reduce_sum3A_56 = vector.multi_reduction <add>, %mul3A_54, %reduce_sum3A_55 [0] : vector<1000x128xf32> to vector<128xf32>
      %broadcast_in_dim3A_57 = vector.shape_cast %reduce_sum3A_56 : vector<128xf32> to vector<1x128xf32>
      %add3A_58 = arith.addf %get3A_53, %broadcast_in_dim3A_57 : vector<1x128xf32>
      %swap3A_59 = arith.constant 1 : index
      %swap3A_60 = arith.constant 0 : index
      %swap3A_61 = vector.load %arg12[%swap3A_59, %swap3A_60] : memref<2x128xf32, #tpu.memory_space<vmem>>, vector<1x128xf32>
      tpu.vector_store %arg12[%swap3A_59, %swap3A_60], %add3A_58 {strides = array<i32>} : memref<2x128xf32, #tpu.memory_space<vmem>>, vector<1x128xf32>,
    } else {
    }
    %eq3A_2 = arith.constant 1 : i32
    %eq3A_3 = arith.cmpi eq, %arg0, %eq3A_2 : i32
    %convert_element_type3A_4 = arith.extui %eq3A_3 : i1 to i32
    %cond3A_5 = arith.constant 0 : i32
    %cond3A_6 = arith.cmpi ne, %convert_element_type3A_4, %cond3A_5 : i32
    scf.if %cond3A_6 {
      %get3A = arith.constant 0 : index
      %get3A_7 = arith.constant 0 : index
      %get3A_8 = vector.load %arg12[%get3A, %get3A_7] : memref<2x128xf32, #tpu.memory_space<vmem>>, vector<2x128xf32>
      %slice3A = vector.extract_strided_slice %get3A_8 {offsets = [0, 0], sizes = [1, 128], strides = [1, 1]} : vector<2x128xf32> to vector<1x128xf32>
      %mul3A = arith.constant 9.99999974E-5 : f32
      %mul3A_9 = vector.broadcast %mul3A : f32 to vector<1x128xf32>
      %mul3A_10 = arith.mulf %slice3A, %mul3A_9 : vector<1x128xf32>
      %slice3A_11 = vector.extract_strided_slice %get3A_8 {offsets = [1, 0], sizes = [1, 128], strides = [1, 1]} : vector<2x128xf32> to vector<1x128xf32>
      %mul3A_12 = arith.constant 9.99999974E-5 : f32
      %mul3A_13 = vector.broadcast %mul3A_12 : f32 to vector<1x128xf32>
      %mul3A_14 = arith.mulf %slice3A_11, %mul3A_13 : vector<1x128xf32>
      %mul3A_15 = arith.mulf %mul3A_10, %mul3A_10 : vector<1x128xf32>
      %sub3A = arith.subf %mul3A_14, %mul3A_15 : vector<1x128xf32>
      %add3A = arith.constant 9.99999974E-6 : f32
      %add3A_16 = vector.broadcast %add3A : f32 to vector<1x128xf32>
      %add3A_17 = arith.addf %sub3A, %add3A_16 : vector<1x128xf32>
      %rsqrt3A = math.rsqrt %add3A_17 : vector<1x128xf32>
      %mul3A_18 = arith.constant 1000 : i32
      %mul3A_19 = arith.muli %arg1, %mul3A_18 : i32
      %get3A_20 = arith.index_cast %mul3A_19 : i32 to index
      %get3A_21 = arith.constant 0 : index
      %get3A_22 = vector.load %arg11[%get3A_20, %get3A_21] : memref<10000x128xf32, #tpu.memory_space<vmem>>, vector<1000x128xf32>
      %sub3A_23 = vector.broadcast %mul3A_10 : vector<1x128xf32> to vector<1000x128xf32>
      %sub3A_24 = arith.subf %get3A_22, %sub3A_23 : vector<1000x128xf32>
      %get3A_25 = arith.constant 0 : index
      %get3A_26 = arith.constant 0 : index
      %get3A_27 = vector.load %arg8[%get3A_25, %get3A_26] : memref<1x128xf32, #tpu.memory_space<vmem>>, vector<1x128xf32>
      %mul3A_28 = arith.mulf %rsqrt3A, %get3A_27 : vector<1x128xf32>
      %mul3A_29 = vector.broadcast %mul3A_28 : vector<1x128xf32> to vector<1000x128xf32>
      %mul3A_30 = arith.mulf %sub3A_24, %mul3A_29 : vector<1000x128xf32>
      %get3A_31 = arith.constant 0 : index
      %get3A_32 = arith.constant 0 : index
      %get3A_33 = vector.load %arg9[%get3A_31, %get3A_32] : memref<1x128xf32, #tpu.memory_space<vmem>>, vector<1x128xf32>
      %add3A_34 = vector.broadcast %get3A_33 : vector<1x128xf32> to vector<1000x128xf32>
      %add3A_35 = arith.addf %mul3A_30, %add3A_34 : vector<1000x128xf32>
      %max3A = arith.constant 0.000000e+00 : f32
      %max3A_36 = vector.broadcast %max3A : f32 to vector<1000x128xf32>
      %max3A_37 = arith.maximumf %add3A_35, %max3A_36 : vector<1000x128xf32>
      %swap3A = arith.constant 0 : index
      %swap3A_38 = arith.constant 0 : index
      %swap3A_39 = vector.load %arg10[%swap3A, %swap3A_38] : memref<1000x128xf32, #tpu.memory_space<vmem>>, vector<1000x128xf32>
      tpu.vector_store %arg10[%swap3A, %swap3A_38], %max3A_37 {strides = array<i32>} : memref<1000x128xf32, #tpu.memory_space<vmem>>, vector<1000x128xf32>,
    } else {
    }
    return
  }
  func.func @transform_0(%arg0: i32, %arg1: i32) -> (i32, i32) {
    %c0_i32 = arith.constant 0 : i32
    %c0_i32_0 = arith.constant 0 : i32
    return %arg1, %c0_i32 : i32, i32
  }
  func.func @transform_1(%arg0: i32, %arg1: i32) -> (i32, i32) {
    %add3A = arith.constant 10 : i32
    %add3A_0 = arith.addi %add3A, %arg1 : i32
    %c0_i32 = arith.constant 0 : i32
    %c0_i32_1 = arith.constant 0 : i32
    return %add3A_0, %c0_i32 : i32, i32
  }
  func.func @transform_2(%arg0: i32, %arg1: i32) -> (i32, i32, i32) {
    %c0_i32 = arith.constant 0 : i32
    %c0_i32_0 = arith.constant 0 : i32
    %c0_i32_1 = arith.constant 0 : i32
    %c0_i32_2 = arith.constant 0 : i32
    return %c0_i32, %c0_i32_0, %c0_i32_1 : i32, i32, i32
  }
  func.func @transform_3(%arg0: i32, %arg1: i32) -> (i32, i32) {
    %c0_i32 = arith.constant 0 : i32
    %c0_i32_0 = arith.constant 0 : i32
    return %arg1, %c0_i32 : i32, i32
  }
  func.func @transform_4(%arg0: i32, %arg1: i32) -> (i32, i32) {
    %c0_i32 = arith.constant 0 : i32
    %c0_i32_0 = arith.constant 0 : i32
    %c0_i32_1 = arith.constant 0 : i32
    return %c0_i32, %c0_i32_0 : i32, i32
  }
  func.func @transform_5(%arg0: i32, %arg1: i32) -> (i32, i32) {
    %c0_i32 = arith.constant 0 : i32
    %c0_i32_0 = arith.constant 0 : i32
    %c0_i32_1 = arith.constant 0 : i32
    return %c0_i32, %c0_i32_0 : i32, i32
  }
  func.func @transform_6(%arg0: i32, %arg1: i32) -> (i32, i32) {
    %c0_i32 = arith.constant 0 : i32
    %c0_i32_0 = arith.constant 0 : i32
    %c0_i32_1 = arith.constant 0 : i32
    return %c0_i32, %c0_i32_0 : i32, i32
  }
  func.func @transform_7(%arg0: i32, %arg1: i32) -> (i32, i32) {
    %c0_i32 = arith.constant 0 : i32
    %c0_i32_0 = arith.constant 0 : i32
    %c0_i32_1 = arith.constant 0 : i32
    return %c0_i32, %c0_i32_0 : i32, i32
  }
  func.func @transform_8(%arg0: i32, %arg1: i32) -> (i32, i32) {
    %c0_i32 = arith.constant 0 : i32
    %c0_i32_0 = arith.constant 0 : i32
    return %arg1, %c0_i32 : i32, i32
  }
}

</mosaic_0001>

<sc_bundles>
// kernel: kernel.4.cloned.1.call-start
scs
__scs_entry_jumppad:
0x0: {  	(pc) =	sbr.rel $0x88, $3  }
0x1: {  	(tag) =	ssettag $0x0;
	lr =	simm.s32 $0x1  }
0x2: {  	[smem:$0x3F9A] =	sst lr;
	_ =	strace $0xD0000000  }
0x3: {  	_ = 	snop  }
0x4: {  	_ = 	snop  }
0x5: {  	_ = 	snop  }
0x6: {  	_ = 	snop  }
0x7: {  	_ = 	snop  }
__scs_overlays_trampoline_lowered:
0x8: {  	[smem:$0x3FA9] =	sst s0  }
0x9: {  	[smem:$0x3FAA] =	sst s1  }
0xa: {  	[smem:$0x3FAB] =	sst s2  }
0xb: {  	[smem:$0x3FAC] =	sst s3  }
0xc: {  	[smem:$0x3FAD] =	sst s4  }
0xd: {  	[smem:$0x3FAE] =	sst s5  }
0xe: {  	[smem:$0x3FAF] =	sst s6  }
0xf: {  	[smem:$0x3FB0] =	sst s7  }
0x10: {  	[smem:$0x3FB1] =	sst s8  }
0x11: {  	[smem:$0x3FB2] =	sst s9;
	s0 =	simm.s32 @!p0 $0x0  }
0x12: {  	s1 =	sld [smem:$0x3F98];
	s0 =	simm.s32 @p0 $0x1  }
0x13: {  	[smem:$0x3FB3] =	sst s0;
	s0 =	simm.s32 @!p1 $0x0  }
0x14: {  	s2 =	sld [smem:$0x3F97];
	s0 =	simm.s32 @p1 $0x1  }
0x15: {  	[smem:$0x3FB4] =	sst s0;
	s0 =	simm.s32 @!p2 $0x0  }
0x16: {  	s3 =	sld [smem:$0x3FDB];
	s0 =	simm.s32 @p2 $0x1  }
0x17: {  	s4 =	simm.s32 $0x1BF5;
	[smem:$0x3FB6] =	sst s0  }
0x18: {  	s0 =	sld [smem:$0x3F99];
	_ =	swait.ge [sflag:s4], $0x0  }
0x19: {  	s7 =	sld [smem:$0x3F9A]  }
0x1a: {  	s8 =	sadd.s32 $0xFFFFE003, lr  }
0x1b: {  	s9 =	sadd.s32 $0xFFFFFEF7, lr;
	s5 =	simm.s32 $0xFFFFFFFF;
	p2 =	slt.u32 s8, $0xFFFFF086  }
0x1c: {  	p1 =	slt.u32 s9, $0xF7A;
	s5 =	simm.s32 @!p2 $0x0  }
0x1d: {  	s5 =	simm.s32 @p1 $0x1;
	p0 =	seq.s32 s7, s2  }
0x1e: {  	s7 =	smul.u32 @!p0 $0xF7A, s2;
	p2 =	seq.s32 @!p0 s5, $0x0  }
0x1f: {  	s9 =	smul.u32 $0xF7A, s1;
	s8 =	simm.s32 @!p0 $0x1BF5;
	p2 =	por !p2, p0  }
0x20: {  	[sflag:s8] =	ssyncset.s32 @!p0 $0xFFFFF086;
	s6 =	sadd.s32 @!p0 s3, s7;
	s7 =	simm.s32 @!p0 $0x108  }
0x21: {  	s3 =	sadd.s32 s3, s9;
	s6 =	sadd.s32 @!p0 $0x88, s6;
	s7 =	simm.s32 @p2 $0x1082  }
0x22: {  	[simem:s7], [sflag:s8] =	dma.local @!p0 [hbm:s6], $0xF7A  }
0x23: {  	s9 =	sor.u32 $0xD0000000, s2;
	s6 =	simm.s32 $0x108;
	_ =	swait.ge @!p0 [sflag:s8], $0x0  }
0x24: {  	s3 =	sadd.s32 $0x88, s3;
	s6 =	simm.s32 @!p1 $0x1082;
	[sflag:s4] =	ssyncset.s32 $0xFFFFF086  }
0x25: {  	[simem:s6], [sflag:s4] =	dma.local [hbm:s3], $0xF7A  }
0x26: {  	[smem:$0x3F9A] =	sst s1;
	(tag) =	ssettag s2;
	_ =	strace s9  }
0x27: {  	s1 =	sld [smem:$0x3FAA]  }
0x28: {  	s2 =	sld [smem:$0x3FAB]  }
0x29: {  	s4 =	sld [smem:$0x3FAD]  }
0x2a: {  	p0 =	seq.s32 s5, $0x0;
	s5 =	sld [smem:$0x3FAE]  }
0x2b: {  	s6 =	sld [smem:$0x3FAF]  }
0x2c: {  	s7 =	sld [smem:$0x3FB0]  }
0x2d: {  	s3 =	simm.s32 $0x108;
	s8 =	sld [smem:$0x3FB1]  }
0x2e: {  	s3 =	simm.s32 @!p0 $0x1082;
	s9 =	sld [smem:$0x3FB2]  }
0x2f: {  	lr =	sadd.s32 s0, s3;
	s0 =	sld [smem:$0x3FA9]  }
0x30: {  	s3 =	sld [smem:$0x3FAC]  }
0x31: {  	[smem:$0x3FB5] =	sst s10  }
0x32: {  	s10 =	sld [smem:$0x3FB3];
	_ =	sdelay $0x3  }
0x33: {  	p0 =	seq.s32 s10, $0x1;
	s10 =	sld [smem:$0x3FB5];
	_ =	sdelay $0x3  }
0x34: {  	[smem:$0x3FB5] =	sst s10  }
0x35: {  	s10 =	sld [smem:$0x3FB4];
	_ =	sdelay $0x3  }
0x36: {  	p1 =	seq.s32 s10, $0x1;
	s10 =	sld [smem:$0x3FB5];
	_ =	sdelay $0x3  }
0x37: {  	[smem:$0x3FB5] =	sst s10  }
0x38: {  	s10 =	sld [smem:$0x3FB6]  }
0x39: {  	_ = 	snop;
	(pc) =	sbr.ind lr, $3  }
0x3a: {  	_ = 	snop  }
0x3b: {  	_ = 	snop  }
0x3c: {  	p2 =	seq.s32 s10, $0x1;
	s10 =	sld [smem:$0x3FB5]  }
0x3d: {  	_ =	shalt  }
0x3e: {  	_ =	shalt  }
0x3f: {  	_ =	shalt  }
0x40: {  	_ =	shalt  }
0x41: {  	_ =	shalt  }
0x42: {  	_ =	shalt  }
0x43: {  	_ =	shalt  }
0x44: {  	_ =	shalt  }
0x45: {  	_ =	shalt  }
0x46: {  	_ =	shalt  }
0x47: {  	_ =	shalt  }
0x48: {  	_ =	shalt  }
0x49: {  	_ =	shalt  }
0x4a: {  	_ =	shalt  }
0x4b: {  	_ =	shalt  }
0x4c: {  	_ =	shalt  }
0x4d: {  	_ =	shalt  }
0x4e: {  	_ =	shalt  }
0x4f: {  	_ =	shalt  }
0x50: {  	_ =	shalt  }
0x51: {  	_ =	shalt  }
0x52: {  	_ =	shalt  }
0x53: {  	_ =	shalt  }
0x54: {  	_ =	shalt  }
0x55: {  	_ =	shalt  }
0x56: {  	_ =	shalt  }
0x57: {  	_ =	shalt  }
0x58: {  	_ =	shalt  }
0x59: {  	_ =	shalt  }
0x5a: {  	_ =	shalt  }
0x5b: {  	_ =	shalt  }
0x5c: {  	_ =	shalt  }
0x5d: {  	_ =	shalt  }
0x5e: {  	_ =	shalt  }
0x5f: {  	_ =	shalt  }
0x60: {  	_ =	shalt  }
0x61: {  	_ =	shalt  }
0x62: {  	_ =	shalt  }
0x63: {  	_ =	shalt  }
0x64: {  	_ =	shalt  }
0x65: {  	_ =	shalt  }
0x66: {  	_ =	shalt  }
0x67: {  	_ =	shalt  }
0x68: {  	_ =	shalt  }
0x69: {  	_ =	shalt  }
0x6a: {  	_ =	shalt  }
0x6b: {  	_ =	shalt  }
0x6c: {  	_ =	shalt  }
0x6d: {  	_ =	shalt  }
0x6e: {  	_ =	shalt  }
0x6f: {  	_ =	shalt  }
0x70: {  	_ =	shalt  }
0x71: {  	_ =	shalt  }
0x72: {  	_ =	shalt  }
0x73: {  	_ =	shalt  }
0x74: {  	_ =	shalt  }
0x75: {  	_ =	shalt  }
0x76: {  	_ =	shalt  }
0x77: {  	_ =	shalt  }
0x78: {  	_ =	shalt  }
0x79: {  	_ =	shalt  }
0x7a: {  	_ =	shalt  }
0x7b: {  	_ =	shalt  }
0x7c: {  	_ =	shalt  }
0x7d: {  	_ =	shalt  }
0x7e: {  	_ =	shalt  }
0x7f: {  	_ =	shalt  }
0x80: {  	_ =	shalt  }
0x81: {  	_ =	shalt  }
0x82: {  	_ =	shalt  }
0x83: {  	_ =	shalt  }
0x84: {  	_ =	shalt  }
0x85: {  	_ =	shalt  }
0x86: {  	_ =	shalt  }
0x87: {  	_ =	shalt  }
.Lfunc_end0:
.L_simem_size_0:
called_computation_lowered:
.L_overlay_start_0:
0x88: {  	s2 =	sld [smem:$0x3FD9]  }
0x89: {  	s3 =	sld [smem:$0x3FFE];
	_ =	sdelay $0x1  }
0x8a: {  	s1 =	srdreg.scid  }
0x8b: {  	s0 =	sand.u32 $0x1, s1  }
0x8c: {  	s17 =	sshll.u32 s0, $0xA;
	s2 =	sadd.s32 s3, s2  }
0x8d: {  	s2 =	sadd.s32 s2, s17  }
0x8e: {  	[smem:$0x3FC1] =	sst s2  }
0x8f: {  	_ = 	snop  }
0x90: {  	s2 =	sld [smem:$0x3FC8]  }
0x91: {  	s18 =	sld [smem:$0x3FD0];
	(tm) =	ssettm $0x1  }
0x92: {  	s4 =	sld [smem:$0x3FFB];
	_ =	sdelay $0x3  }
0x93: {  	_ =	strace s4  }
0x94: {  	s4 =	sld [smem:$0x3FFC];
	_ =	sdelay $0x3  }
0x95: {  	_ =	strace s4  }
0x96: {  	s4 =	sld [smem:$0x3FFD];
	_ =	sdelay $0x3  }
0x97: {  	_ =	strace s4  }
0x98: {  	_ =	strace $0x8FFFFFFF  }
0x99: {  	s19 =	sld [smem:$0x3FDB];
	_ =	sdelay $0x1  }
0x9a: {  	s5 =	simm.s32 $_scs_section_size  }
0x9b: {  	s6 =	simm.s32 $_size__tile_overlayer_lowered;
	s7 =	simm.s32 $_tile_overlayer_lowered  }
0x9c: {  	s22 =	simm.s32 $0x1BFF;
	s21 =	sshll.u32 s7, $0x1;
	s4 =	sadd.s32 s5, s19  }
0x9d: {  	s8 =	simm.s32 $0x0;
	s20 =	sshll.u32 s6, $0x1;
	s6 =	sadd.s32 s21, s4  }
0x9e: {  	[timem:s8], [sflag:s22] =	dma.local [hbm:s6], s20  }
0x9f: {  	_ =	swait.ge [sflag:s22], s20  }
0xa0: {  	s5 =	ssub.s32 $0x0, s20;
	[sflag:s22] =	ssyncset.done $0x0  }
0xa1: {  	[sflag:s22] =	ssyncadd.s32 s5;
	_ =	sdelay $0x1  }
0xa2: {  	s23 =	simm.s32 $0x1B8B  }
0xa3: {  	_ =	swait.ge [sflag:s23], $0x1  }
0xa4: {  	[sflag:s23] =	ssyncset.done $0x0  }
0xa5: {  	s25 =	simm.s32 $0x1B8E;
	s24 =	sld [smem:$0x3FFE];
	[sflag:s23] =	ssyncadd.s32 $0xFFFFFFFF  }
0xa6: {  	s26 =	simm.s32 $execute0_lowered;
	[smem:$0x3FD2] =	sst s25  }
0xa7: {  	s6 =	sshll.u32 s26, $0x1;
	_ =	strace $0x80000046;
	[dreg:$0x1] =	wrdreg $0xFFFFFFFF  }
0xa8: {  	s28 =	simm.s32 $_size_execute0_lowered;
	s4 =	sadd.s32 s4, s6;
	[dreg:$0x0] =	wrdreg $0x0  }
0xa9: {  	s6 =	sshll.u32 s28, $0x1;
	[dreg:$0x2] =	wrdreg s4  }
0xaa: {  	[dreg:$0x3] =	wrdreg s6  }
0xab: {  	[dreg:$0x4] =	wrdreg $0xC0  }
0xac: {  	_ =	task [dreg:s8], $0x5FFFF  }
0xad: {  	[dreg:$0x1] =	wrdreg $0xFFFFFFFF  }
0xae: {  	[dreg:$0x0] =	wrdreg $0x60  }
0xaf: {  	[dreg:$0x2] =	wrdreg s18  }
0xb0: {  	[dreg:$0x3] =	wrdreg s2  }
0xb1: {  	[dreg:$0x4] =	wrdreg s24  }
0xb2: {  	[dreg:$0x5] =	wrdreg $0xC5300  }
0xb3: {  	[dreg:$0x6] =	wrdreg $0x9  }
0xb4: {  	_ =	task.clear_ibuf [dreg:s8], $0x7FFFF;
	_ =	strace $0x90000046  }
0xb5: {  	s29 =	simm.s32 $0x9;
	_ =	strace $0x80000048  }
0xb6: {  	_ =	swait.ge [sflag:s29], $0x1  }
0xb7: {  	[sflag:s29] =	ssyncadd.s32 $0xFFFFFFFF  }
0xb8: {  	_ =	strace $0x90000048  }
0xb9: {  	_ =	sfence  }
0xba: {  	s30 =	sld [smem:$0x0];
	_ =	sdelay $0x2  }
0xbb: {  	s31 =	sshll.u32 s1, $0xD;
	s1 =	sshrl.u32 s1, $0x2  }
0xbc: {  	s3 =	sand.u32 $0x4000, s31;
	s1 =	sadd.s32 s1, s30  }
0xbd: {  	s0 =	sor.u32 s3, s0;
	s1 =	sshll.u32 s1, $0x11  }
0xbe: {  	s0 =	sor.u32 s1, s0  }
0xbf: {  	s0 =	sadd.s32 $0x8F2B, s0  }
0xc0: {  	[sflag:s0] =	ssyncadd.remote.s32 $0x1  }
0xc1: {  	_ =	sfence.sel $0xFFFF  }
0xc2: {  	[dreg:$0x0] =	wrdreg $0xFFFFFFFF;
	(pc) =	sbr.abs _section_cstart, $3  }
0xc3: {  	[dreg:$0x1] =	wrdreg $0xFFFFFFFF  }
0xc4: {  	_ =	task.clear_ibuf [dreg:s8], $0x2FFFF;
	_ =	strace $0x9FFFFFFF  }
0xc5: {  	(tm) =	ssettm $0x7FFFFFFF  }
tec
execute0_lowered:
.L_overlay_start_1:
0x0: {  	(tag) =	ssettag $0x1  }
0x1: {  	s0 =	rddreg [dreg:$0x0]  }
0x2: {  	s1 =	rddreg [dreg:$0x1]  }
0x3: {  	s2 =	rddreg [dreg:$0x2]  }
0x4: {  	s3 =	srdreg.scid;
	s8 =	stileid.u32  }
0x5: {  	s9 =	simm.s32 $0x0;
	s18 =	simm.s32 $0x5;
	s20 =	simm.s32 $0x4E20  }
0x6: {  	s21 =	simm.s32 $0x50;
	s28 =	simm.s32 $0x4;
	s30 =	simm.s32 $0x4D80  }
0x7: {  	s31 =	simm.s32 $0x26C0;
	s4 =	sand.u32 $0x1, s3;
	s5 =	smul.u32 $0x2710, s8  }
0x8: {  	s6 =	sshll.u32 s8, $0x1;
	s3 =	rddreg [dreg:$0x3];
	s22 =	smul.u32 $0x4E200, s8  }
0x9: {  	[smem:$0x7FF] =	sst s9;
	s7 =	smul.u32 $0x27100, s4;
	s6 =	sor.u32 s4, s6  }
0xa: {  	_ =	strace $0x80000047;
	s4 =	ssub.s32 $0x2, s4;
	s6 =	smul.u32 $0x2710, s6  }
0xb: {  	s25 =	sshrl.u32 s22, $0x2;
	s26 =	sshrl.u32 s4, $0x1;
	s22 =	simm.s32 $0x7620  }
0xc: {  	s5 =	sadd.s32 s5, s7;
	s29 =	ssub.s32 s4, s26;
	s26 =	simm.s32 $0x3  }
0xd: {  	s4 =	simm.s32 $0x0;
	s23 =	sadd.s32 s5, s2;
	s24 =	sshrl.u32 s6, $0x3  }
0xe: {  	s6 =	sadd.s32 s25, s3;
	s11 =	smax.u32 s29, $0x1;
	s25 =	simm.s32 $0x2  }
0xf: {  	s2 =	sadd.s32 s24, s2;
	s5 =	sadd.s32 s0, s24;
	s8 =	sadd.s32 $0x11800, s6  }
0x10: {  	s9 =	sadd.s32 $0xB800, s23;
	s12 =	sadd.s32 $0x2800, s6;
	s13 =	sadd.s32 $0x5000, s6  }
0x11: {  	s14 =	sadd.s32 $0x7800, s6;
	s15 =	sadd.s32 $0xA000, s6;
	s16 =	sadd.s32 $0xC800, s6  }
0x12: {  	s17 =	sadd.s32 $0xF000, s6;
	s23 =	simm.s32 $0x1;
	s24 =	simm.s32 $0x9E20  }
0x13: {  	v0 =	vimm.f32 $0.0e+00;
	v1 =	vimm.f32 $1.000000000e+00;
	s7 =	sadd.s32 $0x9C40, s5;
	s10 =	sadd.s32 $0x1A00, s2;
	s2 =	simm.s32 $0x4DD0  }
.LBB2_1:
0x14: {  	s0 =	simm.s32 $0x0  }
.LBB2_2:
0x15: {  	p0 =	sne.s32 s0, $0x9C00  }
.Ltmp0:
0x16: {  	_ = 	snop;
	(pc) =	sbr.rel @p0 .LBB2_2-.Ltmp0, $3  }
0x17: {  	_ =	sdelay $0x1  }
0x18: {  	s19 =	sshra.s32 s0, $0x2  }
0x19: {  	s0 =	sadd.s32 $0x40, s0;
	[tilespmem:s19+$0x9E20] =	vst v0  }
0x1a: {  	s0 =	simm.s32 $0x0;
	s19 =	simm.s32 $0x200  }
.LBB2_4:
0x1b: {  	p0 =	sne.s32 s19, $0x9E00;
	[tilespmem:s0+$0x4E90] =	vst v0  }
0x1c: {  	[tilespmem:s0+$0x4E20] =	vst v0  }
0x1d: {  	[tilespmem:s0+$0x4E30] =	vst v0  }
.Ltmp1:
0x1e: {  	[tilespmem:s0+$0x4E40] =	vst v0;
	(pc) =	sbr.rel @p0 .LBB2_4-.Ltmp1, $4  }
0x1f: {  	[tilespmem:s0+$0x4E50] =	vst v0  }
0x20: {  	[tilespmem:s0+$0x4E60] =	vst v0  }
0x21: {  	[tilespmem:s0+$0x4E70] =	vst v0  }
0x22: {  	[tilespmem:s0+$0x4E80] =	vst v0;
	s0 =	sshra.s32 s19, $0x2;
	s19 =	sadd.s32 $0x200, s19  }
0x23: {  	[tilespmem:s0+$0x4E90] =	vst v0  }
0x24: {  	[tilespmem:s0+$0x4E20] =	vst v0  }
0x25: {  	[tilespmem:s0+$0x4E30] =	vst v0  }
0x26: {  	[tilespmem:s0+$0x4E40] =	vst v0  }
0x27: {  	[tilespmem:s0+$0x4E50] =	vst v0  }
0x28: {  	[tilespmem:s0+$0x4E60] =	vst v0  }
0x29: {  	[tilespmem:s0+$0x4E70] =	vst v0  }
0x2a: {  	[tilespmem:s0+$0x4E80] =	vst v0;
	s0 =	simm.s32 $0x0  }
0x2b: {  	[tilespmem:s0], [sflag:$0x5] =	stream.linear.gather [hbm4b:s5+s0], $0x2710, $0x38;
	[tilespmem:$0x1FDB0] =	vst v63  }
0x2c: {  	_ =	swait.ge [sflag:s18], $0x2710  }
0x2d: {  	[sflag:s18] =	ssyncset.done $0x0  }
0x2e: {  	s19 =	simm.s32 $0x2710;
	[sflag:s18] =	ssyncadd.s32 $0xFFFFD8F0  }
0x2f: {  	[tilespmem:s19], [sflag:$0x5] =	stream.linear.gather [hbm4b:s7+s0], $0x2710, $0x38;
	[tilespmem:$0x1FDB0] =	vst v63  }
0x30: {  	_ =	swait.ge [sflag:s18], $0x2710  }
0x31: {  	[sflag:s18] =	ssyncset.done $0x0  }
0x32: {  	[sflag:s18] =	ssyncadd.s32 $0xFFFFD8F0  }
0x33: {  	[spmem:s6] =	stream.linear.scatter [tilespmem:s20], [sflag:$0x5], $0x2800, $0x38;
	[tilespmem:$0x1FDB0] =	vst v63  }
0x34: {  	_ =	swait.ge [sflag:s18], $0x2800  }
0x35: {  	[sflag:s18] =	ssyncset.done $0x0  }
0x36: {  	[sflag:s18] =	ssyncadd.s32 $0xFFFFD800  }
0x37: {  	[spmem:s12] =	stream.linear.scatter [tilespmem:s20], [sflag:$0x5], $0x2800, $0x38;
	[tilespmem:$0x1FDB0] =	vst v63  }
0x38: {  	_ =	swait.ge [sflag:s18], $0x2800  }
0x39: {  	[sflag:s18] =	ssyncset.done $0x0  }
0x3a: {  	[sflag:s18] =	ssyncadd.s32 $0xFFFFD800  }
0x3b: {  	[spmem:s13] =	stream.linear.scatter [tilespmem:s20], [sflag:$0x5], $0x2800, $0x38;
	[tilespmem:$0x1FDB0] =	vst v63  }
0x3c: {  	_ =	swait.ge [sflag:s18], $0x2800  }
0x3d: {  	[sflag:s18] =	ssyncset.done $0x0  }
0x3e: {  	[sflag:s18] =	ssyncadd.s32 $0xFFFFD800  }
0x3f: {  	[spmem:s14] =	stream.linear.scatter [tilespmem:s20], [sflag:$0x5], $0x2800, $0x38;
	[tilespmem:$0x1FDB0] =	vst v63  }
0x40: {  	_ =	swait.ge [sflag:s18], $0x2800  }
0x41: {  	[sflag:s18] =	ssyncset.done $0x0  }
0x42: {  	[sflag:s18] =	ssyncadd.s32 $0xFFFFD800  }
0x43: {  	[spmem:s15] =	stream.linear.scatter [tilespmem:s20], [sflag:$0x5], $0x2800, $0x38;
	[tilespmem:$0x1FDB0] =	vst v63  }
0x44: {  	_ =	swait.ge [sflag:s18], $0x2800  }
0x45: {  	[sflag:s18] =	ssyncset.done $0x0  }
0x46: {  	[sflag:s18] =	ssyncadd.s32 $0xFFFFD800  }
0x47: {  	[spmem:s16] =	stream.linear.scatter [tilespmem:s20], [sflag:$0x5], $0x2800, $0x38;
	[tilespmem:$0x1FDB0] =	vst v63  }
0x48: {  	_ =	swait.ge [sflag:s18], $0x2800  }
0x49: {  	[sflag:s18] =	ssyncset.done $0x0  }
0x4a: {  	[sflag:s18] =	ssyncadd.s32 $0xFFFFD800  }
0x4b: {  	[spmem:s17] =	stream.linear.scatter [tilespmem:s20], [sflag:$0x5], $0x2800, $0x38;
	[tilespmem:$0x1FDB0] =	vst v63  }
0x4c: {  	_ =	swait.ge [sflag:s18], $0x2800  }
0x4d: {  	[sflag:s18] =	ssyncset.done $0x0  }
0x4e: {  	[sflag:s18] =	ssyncadd.s32 $0xFFFFD800  }
0x4f: {  	[spmem:s8] =	stream.linear.scatter [tilespmem:s20], [sflag:$0x5], $0x2080, $0x38;
	[tilespmem:$0x1FDB0] =	vst v63  }
0x50: {  	_ =	swait.ge [sflag:s18], $0x2080  }
0x51: {  	[sflag:s18] =	ssyncset.done $0x0  }
0x52: {  	[sflag:s18] =	ssyncadd.s32 $0xFFFFDF80  }
0x53: {  	[bflag:$0x0] =	sbarrier.arrive $0xFFFF  }
0x54: {  	[tilespmem:s20], [sflag:$0x1] =	stream.indirect.gather [hbm4b:s1+s21], $0x80, s0, s21, $0xb8;
	[tilespmem:$0x1FDB0] =	vst v63  }
0x55: {  	_ = 	snop  }
0x56: {  	[tilespmem:s22], [sflag:$0x2] =	stream.indirect.gather [hbm4b:s1+s21], $0x80, s21, s21, $0xb8;
	[tilespmem:$0x1FDB0] =	vst v63  }
.LBB2_6:
0x57: {  	_ =	swait.ge [sflag:s23], $0x2800  }
0x58: {  	s19 =	sshra.s32 s0, $0x2;
	[sflag:s23] =	ssyncset.done $0x0  }
0x59: {  	s29 =	sadd.s32 $0x2710, s19;
	[sflag:s23] =	ssyncadd.s32 $0xFFFFD800  }
0x5a: {  	[spmem:s3] =	stream.indirect.scatter.add.f32 [tilespmem:s20], [sflag:$0x3], $0x80, s29, s21, $0xb8;
	[tilespmem:$0x1FDB0] =	vst v63  }
0x5b: {  	v2 =	vld [tilespmem:s19+$0x2710];
	_ =	sdelay $0x7  }
0x5c: {  	[tilespmem:v2+s24+$0x0] =	vst.idx.add.f32.msk $0xffff, v1  }
0x5d: {  	v2 =	vld [tilespmem:s19+$0x2720];
	_ =	sdelay $0x7  }
0x5e: {  	[tilespmem:v2+s24+$0x0] =	vst.idx.add.f32.msk $0xffff, v1  }
0x5f: {  	v2 =	vld [tilespmem:s19+$0x2730];
	_ =	sdelay $0x7  }
0x60: {  	[tilespmem:v2+s24+$0x0] =	vst.idx.add.f32.msk $0xffff, v1  }
0x61: {  	v2 =	vld [tilespmem:s19+$0x2740];
	_ =	sdelay $0x7  }
0x62: {  	[tilespmem:v2+s24+$0x0] =	vst.idx.add.f32.msk $0xffff, v1  }
0x63: {  	v2 =	vld [tilespmem:s19+$0x2750];
	_ =	sdelay $0x7  }
0x64: {  	[tilespmem:v2+s24+$0x0] =	vst.idx.add.f32.msk $0xffff, v1  }
0x65: {  	_ =	swait.ge [sflag:s25], $0x2800  }
0x66: {  	[sflag:s25] =	ssyncset.done $0x0  }
0x67: {  	s29 =	sadd.s32 $0x2760, s19;
	[sflag:s25] =	ssyncadd.s32 $0xFFFFD800  }
0x68: {  	[spmem:s3] =	stream.indirect.scatter.add.f32 [tilespmem:s22], [sflag:$0x4], $0x80, s29, s21, $0xb8;
	[tilespmem:$0x1FDB0] =	vst v63  }
0x69: {  	v2 =	vld [tilespmem:s19+$0x2760];
	_ =	sdelay $0x7  }
0x6a: {  	[tilespmem:v2+s24+$0x0] =	vst.idx.add.f32.msk $0xffff, v1  }
0x6b: {  	v2 =	vld [tilespmem:s19+$0x2770];
	_ =	sdelay $0x7  }
0x6c: {  	[tilespmem:v2+s24+$0x0] =	vst.idx.add.f32.msk $0xffff, v1  }
0x6d: {  	v2 =	vld [tilespmem:s19+$0x2780];
	_ =	sdelay $0x7  }
0x6e: {  	[tilespmem:v2+s24+$0x0] =	vst.idx.add.f32.msk $0xffff, v1  }
0x6f: {  	v2 =	vld [tilespmem:s19+$0x2790];
	_ =	sdelay $0x7  }
0x70: {  	[tilespmem:v2+s24+$0x0] =	vst.idx.add.f32.msk $0xffff, v1  }
0x71: {  	v2 =	vld [tilespmem:s19+$0x27A0];
	_ =	sdelay $0x7  }
0x72: {  	[tilespmem:v2+s24+$0x0] =	vst.idx.add.f32.msk $0xffff, v1  }
0x73: {  	_ =	swait.ge [sflag:s26], $0x2800  }
0x74: {  	[sflag:s26] =	ssyncset.done $0x0  }
0x75: {  	p0 =	sne.s32 s0, $0x9600;
	s29 =	sadd.s32 $0xA0, s19;
	[sflag:s26] =	ssyncadd.s32 $0xFFFFD800  }
0x76: {  	[tilespmem:s20], [sflag:$0x1] =	stream.indirect.gather [hbm4b:s1+s21], $0x80, s29, s21, $0xb8;
	[tilespmem:$0x1FDB0] =	vst v63  }
.Ltmp2:
0x77: {  	_ = 	snop;
	(pc) =	sbr.rel @p0 .LBB2_6-.Ltmp2, $4  }
0x78: {  	_ =	swait.ge [sflag:s28], $0x2800  }
0x79: {  	[sflag:s28] =	ssyncset.done $0x0  }
0x7a: {  	s0 =	sadd.s32 $0x280, s0;
	s19 =	sadd.s32 $0xF0, s19;
	[sflag:s28] =	ssyncadd.s32 $0xFFFFD800  }
0x7b: {  	[tilespmem:s22], [sflag:$0x2] =	stream.indirect.gather [hbm4b:s1+s21], $0x80, s19, s21, $0xb8;
	[tilespmem:$0x1FDB0] =	vst v63  }
0x7c: {  	_ =	swait.ge [sflag:s23], $0x2800  }
0x7d: {  	[sflag:s23] =	ssyncset.done $0x0  }
0x7e: {  	s0 =	simm.s32 $0x4D30;
	[sflag:s23] =	ssyncadd.s32 $0xFFFFD800  }
0x7f: {  	[spmem:s3] =	stream.indirect.scatter.add.f32 [tilespmem:s20], [sflag:$0x3], $0x80, s0, s21, $0xb8;
	[tilespmem:$0x1FDB0] =	vst v63  }
0x80: {  	v2 =	vld [tilespmem:$0x4D30];
	_ =	sdelay $0x7  }
0x81: {  	[tilespmem:v2+s24+$0x0] =	vst.idx.add.f32.msk $0xffff, v1  }
0x82: {  	v2 =	vld [tilespmem:$0x4D40];
	_ =	sdelay $0x7  }
0x83: {  	[tilespmem:v2+s24+$0x0] =	vst.idx.add.f32.msk $0xffff, v1  }
0x84: {  	v2 =	vld [tilespmem:$0x4D50];
	_ =	sdelay $0x7  }
0x85: {  	[tilespmem:v2+s24+$0x0] =	vst.idx.add.f32.msk $0xffff, v1  }
0x86: {  	v2 =	vld [tilespmem:$0x4D60];
	_ =	sdelay $0x7  }
0x87: {  	[tilespmem:v2+s24+$0x0] =	vst.idx.add.f32.msk $0xffff, v1  }
0x88: {  	v2 =	vld [tilespmem:$0x4D70];
	_ =	sdelay $0x7  }
0x89: {  	[tilespmem:v2+s24+$0x0] =	vst.idx.add.f32.msk $0xffff, v1  }
0x8a: {  	_ =	swait.ge [sflag:s25], $0x2800  }
0x8b: {  	[sflag:s25] =	ssyncset.done $0x0  }
0x8c: {  	[sflag:s25] =	ssyncadd.s32 $0xFFFFD800  }
0x8d: {  	[spmem:s3] =	stream.indirect.scatter.add.f32 [tilespmem:s22], [sflag:$0x4], $0x80, s30, s21, $0xb8;
	[tilespmem:$0x1FDB0] =	vst v63  }
0x8e: {  	v2 =	vld [tilespmem:$0x4D80];
	_ =	sdelay $0x7  }
0x8f: {  	[tilespmem:v2+s24+$0x0] =	vst.idx.add.f32.msk $0xffff, v1  }
0x90: {  	v2 =	vld [tilespmem:$0x4D90];
	_ =	sdelay $0x7  }
0x91: {  	[tilespmem:v2+s24+$0x0] =	vst.idx.add.f32.msk $0xffff, v1  }
0x92: {  	v2 =	vld [tilespmem:$0x4DA0];
	_ =	sdelay $0x7  }
0x93: {  	[tilespmem:v2+s24+$0x0] =	vst.idx.add.f32.msk $0xffff, v1  }
0x94: {  	v2 =	vld [tilespmem:$0x4DB0];
	_ =	sdelay $0x7  }
0x95: {  	[tilespmem:v2+s24+$0x0] =	vst.idx.add.f32.msk $0xffff, v1  }
0x96: {  	v2 =	vld [tilespmem:$0x4DC0];
	_ =	sdelay $0x7  }
0x97: {  	[tilespmem:v2+s24+$0x0] =	vst.idx.add.f32.msk $0xffff, v1  }
0x98: {  	_ =	swait.ge [sflag:s26], $0x2800  }
0x99: {  	[sflag:s26] =	ssyncset.done $0x0  }
0x9a: {  	[sflag:s26] =	ssyncadd.s32 $0xFFFFD800  }
0x9b: {  	[tilespmem:s20], [sflag:$0x1] =	stream.indirect.gather [hbm4b:s1+s21], $0x80, s31, s21, $0xb8;
	[tilespmem:$0x1FDB0] =	vst v63  }
0x9c: {  	_ =	swait.ge [sflag:s28], $0x2800  }
0x9d: {  	[sflag:s28] =	ssyncset.done $0x0  }
0x9e: {  	[sflag:s28] =	ssyncadd.s32 $0xFFFFD800  }
0x9f: {  	_ =	swait.ge [sflag:s23], $0x2800  }
0xa0: {  	[sflag:s23] =	ssyncset.done $0x0  }
0xa1: {  	[sflag:s23] =	ssyncadd.s32 $0xFFFFD800  }
0xa2: {  	[spmem:s3] =	stream.indirect.scatter.add.f32 [tilespmem:s20], [sflag:$0x5], $0x80, s2, s21, $0xb8;
	[tilespmem:$0x1FDB0] =	vst v63  }
0xa3: {  	_ =	swait.ge [sflag:s18], $0x2800  }
0xa4: {  	[sflag:s18] =	ssyncset.done $0x0  }
0xa5: {  	[sflag:s18] =	ssyncadd.s32 $0xFFFFD800  }
0xa6: {  	v2 =	vld [tilespmem:$0x4DD0];
	_ =	sdelay $0x7  }
0xa7: {  	[tilespmem:v2+s24+$0x0] =	vst.idx.add.f32.msk $0xffff, v1  }
0xa8: {  	v2 =	vld [tilespmem:$0x4DE0];
	_ =	sdelay $0x7  }
0xa9: {  	[tilespmem:v2+s24+$0x0] =	vst.idx.add.f32.msk $0xffff, v1  }
0xaa: {  	v2 =	vld [tilespmem:$0x4DF0];
	_ =	sdelay $0x7  }
0xab: {  	[tilespmem:v2+s24+$0x0] =	vst.idx.add.f32.msk $0xffff, v1  }
0xac: {  	v2 =	vld [tilespmem:$0x4E00];
	_ =	sdelay $0x7  }
0xad: {  	[tilespmem:v2+s24+$0x0] =	vst.idx.add.f32.msk $0xffff, v1  }
0xae: {  	v2 =	vld [tilespmem:$0x4E10];
	_ =	sdelay $0x6  }
0xaf: {  	s19 =	stileid.u32  }
0xb0: {  	s0 =	sshll.u32 s19, $0x6;
	[tilespmem:v2+s24+$0x0] =	vst.idx.add.f32.msk $0xffff, v1  }
0xb1: {  	s19 =	sshrl.u32 s6, $0x3;
	s0 =	sor.u32 $0x1C05, s0;
	[bflag:$0x0] =	sbarrier.arrive $0xFFFF  }
0xb2: {  	[hbm:s9], [sflag:s0] =	dma.local [spmem:s19], $0x2710  }
0xb3: {  	s4 =	sadd.s32 $0x1, s4;
	_ =	swait.ge [sflag:s18], $0x2710  }
0xb4: {  	p0 =	sne.s32 s4, s11;
	[sflag:s18] =	ssyncset.done $0x0  }
.Ltmp3:
0xb5: {  	s29 =	simm.s32 $0x0;
	[sflag:s18] =	ssyncadd.s32 $0xFFFFD8F0;
	(pc) =	sbr.rel @p0 .LBB2_1-.Ltmp3, $4  }
0xb6: {  	[hbm4b:s10+s29] =	stream.linear.scatter [tilespmem:s24], [sflag:$0x5], $0x2710, $0x38;
	[tilespmem:$0x1FDB0] =	vst v63  }
0xb7: {  	_ =	swait.ge [sflag:s18], $0x2710  }
0xb8: {  	[sflag:s18] =	ssyncset.done $0x0  }
0xb9: {  	[sflag:s18] =	ssyncadd.s32 $0xFFFFD8F0  }
0xba: {  	_ =	sfence.sel $0x180000  }
0xbb: {  	[bflag:$0x0] =	sbarrier.arrive $0xFFFF  }
0xbc: {  	_ =	strace $0x90000047  }
0xbd: {  	s0 =	stileid.u32;
	[bflag:$0x2] =	sbarrier.arrive $0xFFFF  }
0xbe: {  	p0 =	sne.s32 s0, $0x0;
	s0 =	rddreg [dreg:$0x4]  }
0xbf: {  	s0 =	sadd.s32 @!p0 $0x100000, s0  }
0xc0: {  	[sflag:s0] =	ssyncadd.tile.s32 @!p0 $0x1;
	_ =	shalt  }
.Lfunc_end2:
_tile_overlayer_lowered:
.L_overlay_start_2:
0xc1: {  	(tag) =	ssettag $0x2  }
0xc2: {  	s0 =	rddreg [dreg:$0x0];
	s2 =	stileid.u32  }
0xc3: {  	s1 =	rddreg [dreg:$0x1];
	p0 =	sne.s32 s2, $0x0  }
0xc4: {  	s3 =	rddreg [dreg:$0x2];
	[bflag:$0x3] =	sbarrier.arrive $0xFFFF;
	s2 =	simm.s32 @!p0 $0x1C05  }
0xc5: {  	[timem:s3], [sflag:s2] =	dma.local @!p0 [hbm:s0], s1  }
0xc6: {  	s0 =	simm.s32 @!p0 $0x5  }
0xc7: {  	_ =	swait.ge @!p0 [sflag:s0], s1  }
0xc8: {  	s1 =	ssub.s32 @!p0 $0x0, s1;
	[sflag:s0] =	ssyncset.done @!p0 $0x0  }
0xc9: {  	[sflag:s0] =	ssyncadd.s32 @!p0 s1  }
0xca: {  	[bflag:$0x3] =	sbarrier.arrive $0xFFFF  }
0xcb: {  	_ =	shalt  }

</sc_bundles>
